<compile_context>
chip_gen: v7x
topology: tpu7x:2x2x1
jax: 0.10.2.dev20260603
libtpu: 0.0.44.dev20260713+nightly
codegen_flags: <defaults>
</compile_context>

<pallas_src>
import functools
import jax
import jax.numpy as jnp
from jax import lax
from jax.experimental import pallas as pl
from jax.experimental.pallas import tpu as pltpu
from jax.experimental.pallas import tpu_sc as plsc

_NC, _NS = 2, 16
_NW = _NC * _NS

_N, _C, _H, _W = 32, 192, 56, 56
_COLS = (_C // 2) * _H * _W
_TPB = 2 * _COLS
_NCHUNK = 8
_CH = _COLS // _NCHUNK
_NBUF = 3


def _sc_body(z_hbm, o1_hbm, o2_hbm, *scratch):
    bufs = scratch[:_NBUF]
    isems = scratch[_NBUF:2 * _NBUF]
    osems = scratch[2 * _NBUF:3 * _NBUF]
    b = lax.axis_index("s") * _NC + lax.axis_index("c")

    units = [(h, c) for h in (0, 1) for c in range(_NCHUNK)]
    nu = len(units)

    def in_copy(i):
        h, c = units[i]
        src = z_hbm.at[pl.ds(b * _TPB + h * _COLS + c * _CH, _CH)]
        return pltpu.make_async_copy(src, bufs[i % _NBUF], isems[i % _NBUF])

    def out_copy(i):
        h, c = units[i]
        dst_ref = o1_hbm if h == 0 else o2_hbm
        dst = dst_ref.at[pl.ds(b * _COLS + c * _CH, _CH)]
        return pltpu.make_async_copy(bufs[i % _NBUF], dst, osems[i % _NBUF])

    for i in range(min(_NBUF, nu)):
        in_copy(i).start()
    for i in range(nu):
        in_copy(i).wait()
        out_copy(i).start()
        if i + _NBUF < nu:
            out_copy(i).wait()
            in_copy(i + _NBUF).start()
    for i in range(nu - _NBUF, nu):
        if i >= 0:
            out_copy(i).wait()


def kernel(z):
    n, c, h, w = z.shape
    ch = c // 2
    zf = z.reshape(n * 2 * _COLS)
    mesh = plsc.VectorSubcoreMesh(core_axis_name="c", subcore_axis_name="s")
    out1, out2 = pl.kernel(
        _sc_body,
        out_type=[
            jax.ShapeDtypeStruct((n * _COLS,), z.dtype),
            jax.ShapeDtypeStruct((n * _COLS,), z.dtype),
        ],
        mesh=mesh,
        scratch_types=(
            [pltpu.VMEM((_CH,), jnp.float32)] * _NBUF
            + [pltpu.SemaphoreType.DMA] * (2 * _NBUF)
        ),
    )(zf)
    z1 = out1.reshape(n, ch, h, w)
    z2 = out2.reshape(n, ch, h, w)
    log_det = jnp.zeros((), z.dtype)
    return (z1, z2, log_det)

# --- scband reference (transcript-rebuilt; emitter-appended) ---
"""Pipeline reference for scband-split-36790689857906 (READ-ONLY COPY).

The authoritative reference and input builder live on the scoring server;
editing this copy changes nothing except your own understanding.
"""

import jax, jax.numpy as jnp
import numpy as np

def setup_inputs(seed: int = 0) -> dict:
    key = jax.random.key(seed)
    z = jax.random.normal(key, (32, 192, 56, 56), dtype=jnp.float32)
    return {"z": z}

def reference(z):
    # Split.forward with mode='channel': chunk along dim 1 into two halves
    c = z.shape[1]
    z1 = z[:, : c // 2]
    z2 = z[:, c // 2 :]
    log_det = jnp.asarray(0.0, dtype=z.dtype)
    return (z1, z2, log_det)

if __name__ == "__main__":
    import jax
    _d = setup_inputs()
    print(jax.jit(kernel)(*tuple(_d.values())))

</pallas_src>

<mosaic_0001>
#map = affine_map<(d0, d1) -> (0)>
module attributes {stable_mosaic.version = 14 : i64} {
  func.func @_sc_body(%arg0: i32, %arg1: i32, %arg2: memref<19267584xf32, #tpu.memory_space<hbm>>, %arg3: memref<9633792xf32, #tpu.memory_space<hbm>>, %arg4: memref<9633792xf32, #tpu.memory_space<hbm>>, %arg5: memref<37632xf32, #tpu.memory_space<vmem>>, %arg6: memref<37632xf32, #tpu.memory_space<vmem>>, %arg7: memref<37632xf32, #tpu.memory_space<vmem>>, %arg8: memref<!tpu.dma_semaphore, #tpu.memory_space<semaphore_mem>>, %arg9: memref<!tpu.dma_semaphore, #tpu.memory_space<semaphore_mem>>, %arg10: memref<!tpu.dma_semaphore, #tpu.memory_space<semaphore_mem>>, %arg11: memref<!tpu.dma_semaphore, #tpu.memory_space<semaphore_mem>>, %arg12: memref<!tpu.dma_semaphore, #tpu.memory_space<semaphore_mem>>, %arg13: memref<!tpu.dma_semaphore, #tpu.memory_space<semaphore_mem>>) attributes {dimension_semantics = [#tpu.dimension_semantics<core_parallel>, #tpu.dimension_semantics<subcore_parallel>], iteration_bounds = array<i64: 2, 16>, scalar_prefetch = 0 : i64, scratch_operands = 9 : i64, tpu.core_type = #tpu.core_type<sc_vector_subcore>, window_params = [{transform_indices = #map}, {transform_indices = #map}, {transform_indices = #map}]} {
    %mul3A = arith.constant 2 : i32
    %mul3A_0 = arith.muli %arg1, %mul3A : i32
    %add3A = arith.addi %mul3A_0, %arg0 : i32
    %mul3A_1 = arith.constant 602112 : i32
    %mul3A_2 = arith.muli %add3A, %mul3A_1 : i32
    %add3A_3 = arith.constant 0 : i32
    %add3A_4 = arith.addi %mul3A_2, %add3A_3 : i32
    %add3A_5 = arith.constant 0 : i32
    %add3A_6 = arith.addi %add3A_4, %add3A_5 : i32
    %dma_start3A = tpu.memref_slice %arg2[%add3A_6] : memref<19267584xf32, #tpu.memory_space<hbm>> -> memref<37632xf32, #tpu.memory_space<hbm>>
    %dma_start3A_7 = tpu.memref_slice %arg2[%add3A_6] : memref<19267584xf32, #tpu.memory_space<hbm>> -> memref<37632xf32, #tpu.memory_space<hbm>>
    tpu.enqueue_dma source(%dma_start3A_7 : memref<37632xf32, #tpu.memory_space<hbm>>) target(%arg5 : memref<37632xf32, #tpu.memory_space<vmem>>) target_semaphore(%arg8 : memref<!tpu.dma_semaphore, #tpu.memory_space<semaphore_mem>>)
    %mul3A_8 = arith.constant 602112 : i32
    %mul3A_9 = arith.muli %add3A, %mul3A_8 : i32
    %add3A_10 = arith.constant 0 : i32
    %add3A_11 = arith.addi %mul3A_9, %add3A_10 : i32
    %add3A_12 = arith.constant 37632 : i32
    %add3A_13 = arith.addi %add3A_11, %add3A_12 : i32
    %dma_start3A_14 = tpu.memref_slice %arg2[%add3A_13] : memref<19267584xf32, #tpu.memory_space<hbm>> -> memref<37632xf32, #tpu.memory_space<hbm>>
    %dma_start3A_15 = tpu.memref_slice %arg2[%add3A_13] : memref<19267584xf32, #tpu.memory_space<hbm>> -> memref<37632xf32, #tpu.memory_space<hbm>>
    tpu.enqueue_dma source(%dma_start3A_15 : memref<37632xf32, #tpu.memory_space<hbm>>) target(%arg6 : memref<37632xf32, #tpu.memory_space<vmem>>) target_semaphore(%arg9 : memref<!tpu.dma_semaphore, #tpu.memory_space<semaphore_mem>>)
    %mul3A_16 = arith.constant 602112 : i32
    %mul3A_17 = arith.muli %add3A, %mul3A_16 : i32
    %add3A_18 = arith.constant 0 : i32
    %add3A_19 = arith.addi %mul3A_17, %add3A_18 : i32
    %add3A_20 = arith.constant 75264 : i32
    %add3A_21 = arith.addi %add3A_19, %add3A_20 : i32
    %dma_start3A_22 = tpu.memref_slice %arg2[%add3A_21] : memref<19267584xf32, #tpu.memory_space<hbm>> -> memref<37632xf32, #tpu.memory_space<hbm>>
    %dma_start3A_23 = tpu.memref_slice %arg2[%add3A_21] : memref<19267584xf32, #tpu.memory_space<hbm>> -> memref<37632xf32, #tpu.memory_space<hbm>>
    tpu.enqueue_dma source(%dma_start3A_23 : memref<37632xf32, #tpu.memory_space<hbm>>) target(%arg7 : memref<37632xf32, #tpu.memory_space<vmem>>) target_semaphore(%arg10 : memref<!tpu.dma_semaphore, #tpu.memory_space<semaphore_mem>>)
    %mul3A_24 = arith.constant 602112 : i32
    %mul3A_25 = arith.muli %add3A, %mul3A_24 : i32
    %add3A_26 = arith.constant 0 : i32
    %add3A_27 = arith.addi %mul3A_25, %add3A_26 : i32
    %add3A_28 = arith.constant 0 : i32
    %add3A_29 = arith.addi %add3A_27, %add3A_28 : i32
    %dma_wait3A = tpu.memref_slice %arg2[%add3A_29] : memref<19267584xf32, #tpu.memory_space<hbm>> -> memref<37632xf32, #tpu.memory_space<hbm>>
    %dma_wait3A_30 = tpu.memref_slice %arg2[%add3A_29] : memref<19267584xf32, #tpu.memory_space<hbm>> -> memref<37632xf32, #tpu.memory_space<hbm>>
    tpu.wait_dma2 semaphore(%arg8 : memref<!tpu.dma_semaphore, #tpu.memory_space<semaphore_mem>>) src(%dma_wait3A_30 : memref<37632xf32, #tpu.memory_space<hbm>>) dst(%arg5 : memref<37632xf32, #tpu.memory_space<vmem>>)
    %mul3A_31 = arith.constant 301056 : i32
    %mul3A_32 = arith.muli %add3A, %mul3A_31 : i32
    %add3A_33 = arith.constant 0 : i32
    %add3A_34 = arith.addi %mul3A_32, %add3A_33 : i32
    %dma_start3A_35 = tpu.memref_slice %arg3[%add3A_34] : memref<9633792xf32, #tpu.memory_space<hbm>> -> memref<37632xf32, #tpu.memory_space<hbm>>
    %dma_start3A_36 = tpu.memref_slice %arg3[%add3A_34] : memref<9633792xf32, #tpu.memory_space<hbm>> -> memref<37632xf32, #tpu.memory_space<hbm>>
    tpu.enqueue_dma source(%arg5 : memref<37632xf32, #tpu.memory_space<vmem>>) target(%dma_start3A_36 : memref<37632xf32, #tpu.memory_space<hbm>>) target_semaphore(%arg11 : memref<!tpu.dma_semaphore, #tpu.memory_space<semaphore_mem>>)
    %mul3A_37 = arith.constant 301056 : i32
    %mul3A_38 = arith.muli %add3A, %mul3A_37 : i32
    %add3A_39 = arith.constant 0 : i32
    %add3A_40 = arith.addi %mul3A_38, %add3A_39 : i32
    %dma_wait3A_41 = tpu.memref_slice %arg3[%add3A_40] : memref<9633792xf32, #tpu.memory_space<hbm>> -> memref<37632xf32, #tpu.memory_space<hbm>>
    %dma_wait3A_42 = tpu.memref_slice %arg3[%add3A_40] : memref<9633792xf32, #tpu.memory_space<hbm>> -> memref<37632xf32, #tpu.memory_space<hbm>>
    tpu.wait_dma2 semaphore(%arg11 : memref<!tpu.dma_semaphore, #tpu.memory_space<semaphore_mem>>) src(%arg5 : memref<37632xf32, #tpu.memory_space<vmem>>) dst(%dma_wait3A_42 : memref<37632xf32, #tpu.memory_space<hbm>>)
    %mul3A_43 = arith.constant 602112 : i32
    %mul3A_44 = arith.muli %add3A, %mul3A_43 : i32
    %add3A_45 = arith.constant 0 : i32
    %add3A_46 = arith.addi %mul3A_44, %add3A_45 : i32
    %add3A_47 = arith.constant 112896 : i32
    %add3A_48 = arith.addi %add3A_46, %add3A_47 : i32
    %dma_start3A_49 = tpu.memref_slice %arg2[%add3A_48] : memref<19267584xf32, #tpu.memory_space<hbm>> -> memref<37632xf32, #tpu.memory_space<hbm>>
    %dma_start3A_50 = tpu.memref_slice %arg2[%add3A_48] : memref<19267584xf32, #tpu.memory_space<hbm>> -> memref<37632xf32, #tpu.memory_space<hbm>>
    tpu.enqueue_dma source(%dma_start3A_50 : memref<37632xf32, #tpu.memory_space<hbm>>) target(%arg5 : memref<37632xf32, #tpu.memory_space<vmem>>) target_semaphore(%arg8 : memref<!tpu.dma_semaphore, #tpu.memory_space<semaphore_mem>>)
    %mul3A_51 = arith.constant 602112 : i32
    %mul3A_52 = arith.muli %add3A, %mul3A_51 : i32
    %add3A_53 = arith.constant 0 : i32
    %add3A_54 = arith.addi %mul3A_52, %add3A_53 : i32
    %add3A_55 = arith.constant 37632 : i32
    %add3A_56 = arith.addi %add3A_54, %add3A_55 : i32
    %dma_wait3A_57 = tpu.memref_slice %arg2[%add3A_56] : memref<19267584xf32, #tpu.memory_space<hbm>> -> memref<37632xf32, #tpu.memory_space<hbm>>
    %dma_wait3A_58 = tpu.memref_slice %arg2[%add3A_56] : memref<19267584xf32, #tpu.memory_space<hbm>> -> memref<37632xf32, #tpu.memory_space<hbm>>
    tpu.wait_dma2 semaphore(%arg9 : memref<!tpu.dma_semaphore, #tpu.memory_space<semaphore_mem>>) src(%dma_wait3A_58 : memref<37632xf32, #tpu.memory_space<hbm>>) dst(%arg6 : memref<37632xf32, #tpu.memory_space<vmem>>)
    %mul3A_59 = arith.constant 301056 : i32
    %mul3A_60 = arith.muli %add3A, %mul3A_59 : i32
    %add3A_61 = arith.constant 37632 : i32
    %add3A_62 = arith.addi %mul3A_60, %add3A_61 : i32
    %dma_start3A_63 = tpu.memref_slice %arg3[%add3A_62] : memref<9633792xf32, #tpu.memory_space<hbm>> -> memref<37632xf32, #tpu.memory_space<hbm>>
    %dma_start3A_64 = tpu.memref_slice %arg3[%add3A_62] : memref<9633792xf32, #tpu.memory_space<hbm>> -> memref<37632xf32, #tpu.memory_space<hbm>>
    tpu.enqueue_dma source(%arg6 : memref<37632xf32, #tpu.memory_space<vmem>>) target(%dma_start3A_64 : memref<37632xf32, #tpu.memory_space<hbm>>) target_semaphore(%arg12 : memref<!tpu.dma_semaphore, #tpu.memory_space<semaphore_mem>>)
    %mul3A_65 = arith.constant 301056 : i32
    %mul3A_66 = arith.muli %add3A, %mul3A_65 : i32
    %add3A_67 = arith.constant 37632 : i32
    %add3A_68 = arith.addi %mul3A_66, %add3A_67 : i32
    %dma_wait3A_69 = tpu.memref_slice %arg3[%add3A_68] : memref<9633792xf32, #tpu.memory_space<hbm>> -> memref<37632xf32, #tpu.memory_space<hbm>>
    %dma_wait3A_70 = tpu.memref_slice %arg3[%add3A_68] : memref<9633792xf32, #tpu.memory_space<hbm>> -> memref<37632xf32, #tpu.memory_space<hbm>>
    tpu.wait_dma2 semaphore(%arg12 : memref<!tpu.dma_semaphore, #tpu.memory_space<semaphore_mem>>) src(%arg6 : memref<37632xf32, #tpu.memory_space<vmem>>) dst(%dma_wait3A_70 : memref<37632xf32, #tpu.memory_space<hbm>>)
    %mul3A_71 = arith.constant 602112 : i32
    %mul3A_72 = arith.muli %add3A, %mul3A_71 : i32
    %add3A_73 = arith.constant 0 : i32
    %add3A_74 = arith.addi %mul3A_72, %add3A_73 : i32
    %add3A_75 = arith.constant 150528 : i32
    %add3A_76 = arith.addi %add3A_74, %add3A_75 : i32
    %dma_start3A_77 = tpu.memref_slice %arg2[%add3A_76] : memref<19267584xf32, #tpu.memory_space<hbm>> -> memref<37632xf32, #tpu.memory_space<hbm>>
    %dma_start3A_78 = tpu.memref_slice %arg2[%add3A_76] : memref<19267584xf32, #tpu.memory_space<hbm>> -> memref<37632xf32, #tpu.memory_space<hbm>>
    tpu.enqueue_dma source(%dma_start3A_78 : memref<37632xf32, #tpu.memory_space<hbm>>) target(%arg6 : memref<37632xf32, #tpu.memory_space<vmem>>) target_semaphore(%arg9 : memref<!tpu.dma_semaphore, #tpu.memory_space<semaphore_mem>>)
    %mul3A_79 = arith.constant 602112 : i32
    %mul3A_80 = arith.muli %add3A, %mul3A_79 : i32
    %add3A_81 = arith.constant 0 : i32
    %add3A_82 = arith.addi %mul3A_80, %add3A_81 : i32
    %add3A_83 = arith.constant 75264 : i32
    %add3A_84 = arith.addi %add3A_82, %add3A_83 : i32
    %dma_wait3A_85 = tpu.memref_slice %arg2[%add3A_84] : memref<19267584xf32, #tpu.memory_space<hbm>> -> memref<37632xf32, #tpu.memory_space<hbm>>
    %dma_wait3A_86 = tpu.memref_slice %arg2[%add3A_84] : memref<19267584xf32, #tpu.memory_space<hbm>> -> memref<37632xf32, #tpu.memory_space<hbm>>
    tpu.wait_dma2 semaphore(%arg10 : memref<!tpu.dma_semaphore, #tpu.memory_space<semaphore_mem>>) src(%dma_wait3A_86 : memref<37632xf32, #tpu.memory_space<hbm>>) dst(%arg7 : memref<37632xf32, #tpu.memory_space<vmem>>)
    %mul3A_87 = arith.constant 301056 : i32
    %mul3A_88 = arith.muli %add3A, %mul3A_87 : i32
    %add3A_89 = arith.constant 75264 : i32
    %add3A_90 = arith.addi %mul3A_88, %add3A_89 : i32
    %dma_start3A_91 = tpu.memref_slice %arg3[%add3A_90] : memref<9633792xf32, #tpu.memory_space<hbm>> -> memref<37632xf32, #tpu.memory_space<hbm>>
    %dma_start3A_92 = tpu.memref_slice %arg3[%add3A_90] : memref<9633792xf32, #tpu.memory_space<hbm>> -> memref<37632xf32, #tpu.memory_space<hbm>>
    tpu.enqueue_dma source(%arg7 : memref<37632xf32, #tpu.memory_space<vmem>>) target(%dma_start3A_92 : memref<37632xf32, #tpu.memory_space<hbm>>) target_semaphore(%arg13 : memref<!tpu.dma_semaphore, #tpu.memory_space<semaphore_mem>>)
    %mul3A_93 = arith.constant 301056 : i32
    %mul3A_94 = arith.muli %add3A, %mul3A_93 : i32
    %add3A_95 = arith.constant 75264 : i32
    %add3A_96 = arith.addi %mul3A_94, %add3A_95 : i32
    %dma_wait3A_97 = tpu.memref_slice %arg3[%add3A_96] : memref<9633792xf32, #tpu.memory_space<hbm>> -> memref<37632xf32, #tpu.memory_space<hbm>>
    %dma_wait3A_98 = tpu.memref_slice %arg3[%add3A_96] : memref<9633792xf32, #tpu.memory_space<hbm>> -> memref<37632xf32, #tpu.memory_space<hbm>>
    tpu.wait_dma2 semaphore(%arg13 : memref<!tpu.dma_semaphore, #tpu.memory_space<semaphore_mem>>) src(%arg7 : memref<37632xf32, #tpu.memory_space<vmem>>) dst(%dma_wait3A_98 : memref<37632xf32, #tpu.memory_space<hbm>>)
    %mul3A_99 = arith.constant 602112 : i32
    %mul3A_100 = arith.muli %add3A, %mul3A_99 : i32
    %add3A_101 = arith.constant 0 : i32
    %add3A_102 = arith.addi %mul3A_100, %add3A_101 : i32
    %add3A_103 = arith.constant 188160 : i32
    %add3A_104 = arith.addi %add3A_102, %add3A_103 : i32
    %dma_start3A_105 = tpu.memref_slice %arg2[%add3A_104] : memref<19267584xf32, #tpu.memory_space<hbm>> -> memref<37632xf32, #tpu.memory_space<hbm>>
    %dma_start3A_106 = tpu.memref_slice %arg2[%add3A_104] : memref<19267584xf32, #tpu.memory_space<hbm>> -> memref<37632xf32, #tpu.memory_space<hbm>>
    tpu.enqueue_dma source(%dma_start3A_106 : memref<37632xf32, #tpu.memory_space<hbm>>) target(%arg7 : memref<37632xf32, #tpu.memory_space<vmem>>) target_semaphore(%arg10 : memref<!tpu.dma_semaphore, #tpu.memory_space<semaphore_mem>>)
    %mul3A_107 = arith.constant 602112 : i32
    %mul3A_108 = arith.muli %add3A, %mul3A_107 : i32
    %add3A_109 = arith.constant 0 : i32
    %add3A_110 = arith.addi %mul3A_108, %add3A_109 : i32
    %add3A_111 = arith.constant 112896 : i32
    %add3A_112 = arith.addi %add3A_110, %add3A_111 : i32
    %dma_wait3A_113 = tpu.memref_slice %arg2[%add3A_112] : memref<19267584xf32, #tpu.memory_space<hbm>> -> memref<37632xf32, #tpu.memory_space<hbm>>
    %dma_wait3A_114 = tpu.memref_slice %arg2[%add3A_112] : memref<19267584xf32, #tpu.memory_space<hbm>> -> memref<37632xf32, #tpu.memory_space<hbm>>
    tpu.wait_dma2 semaphore(%arg8 : memref<!tpu.dma_semaphore, #tpu.memory_space<semaphore_mem>>) src(%dma_wait3A_114 : memref<37632xf32, #tpu.memory_space<hbm>>) dst(%arg5 : memref<37632xf32, #tpu.memory_space<vmem>>)
    %mul3A_115 = arith.constant 301056 : i32
    %mul3A_116 = arith.muli %add3A, %mul3A_115 : i32
    %add3A_117 = arith.constant 112896 : i32
    %add3A_118 = arith.addi %mul3A_116, %add3A_117 : i32
    %dma_start3A_119 = tpu.memref_slice %arg3[%add3A_118] : memref<9633792xf32, #tpu.memory_space<hbm>> -> memref<37632xf32, #tpu.memory_space<hbm>>
    %dma_start3A_120 = tpu.memref_slice %arg3[%add3A_118] : memref<9633792xf32, #tpu.memory_space<hbm>> -> memref<37632xf32, #tpu.memory_space<hbm>>
    tpu.enqueue_dma source(%arg5 : memref<37632xf32, #tpu.memory_space<vmem>>) target(%dma_start3A_120 : memref<37632xf32, #tpu.memory_space<hbm>>) target_semaphore(%arg11 : memref<!tpu.dma_semaphore, #tpu.memory_space<semaphore_mem>>)
    %mul3A_121 = arith.constant 301056 : i32
    %mul3A_122 = arith.muli %add3A, %mul3A_121 : i32
    %add3A_123 = arith.constant 112896 : i32
    %add3A_124 = arith.addi %mul3A_122, %add3A_123 : i32
    %dma_wait3A_125 = tpu.memref_slice %arg3[%add3A_124] : memref<9633792xf32, #tpu.memory_space<hbm>> -> memref<37632xf32, #tpu.memory_space<hbm>>
    %dma_wait3A_126 = tpu.memref_slice %arg3[%add3A_124] : memref<9633792xf32, #tpu.memory_space<hbm>> -> memref<37632xf32, #tpu.memory_space<hbm>>
    tpu.wait_dma2 semaphore(%arg11 : memref<!tpu.dma_semaphore, #tpu.memory_space<semaphore_mem>>) src(%arg5 : memref<37632xf32, #tpu.memory_space<vmem>>) dst(%dma_wait3A_126 : memref<37632xf32, #tpu.memory_space<hbm>>)
    %mul3A_127 = arith.constant 602112 : i32
    %mul3A_128 = arith.muli %add3A, %mul3A_127 : i32
    %add3A_129 = arith.constant 0 : i32
    %add3A_130 = arith.addi %mul3A_128, %add3A_129 : i32
    %add3A_131 = arith.constant 225792 : i32
    %add3A_132 = arith.addi %add3A_130, %add3A_131 : i32
    %dma_start3A_133 = tpu.memref_slice %arg2[%add3A_132] : memref<19267584xf32, #tpu.memory_space<hbm>> -> memref<37632xf32, #tpu.memory_space<hbm>>
    %dma_start3A_134 = tpu.memref_slice %arg2[%add3A_132] : memref<19267584xf32, #tpu.memory_space<hbm>> -> memref<37632xf32, #tpu.memory_space<hbm>>
    tpu.enqueue_dma source(%dma_start3A_134 : memref<37632xf32, #tpu.memory_space<hbm>>) target(%arg5 : memref<37632xf32, #tpu.memory_space<vmem>>) target_semaphore(%arg8 : memref<!tpu.dma_semaphore, #tpu.memory_space<semaphore_mem>>)
    %mul3A_135 = arith.constant 602112 : i32
    %mul3A_136 = arith.muli %add3A, %mul3A_135 : i32
    %add3A_137 = arith.constant 0 : i32
    %add3A_138 = arith.addi %mul3A_136, %add3A_137 : i32
    %add3A_139 = arith.constant 150528 : i32
    %add3A_140 = arith.addi %add3A_138, %add3A_139 : i32
    %dma_wait3A_141 = tpu.memref_slice %arg2[%add3A_140] : memref<19267584xf32, #tpu.memory_space<hbm>> -> memref<37632xf32, #tpu.memory_space<hbm>>
    %dma_wait3A_142 = tpu.memref_slice %arg2[%add3A_140] : memref<19267584xf32, #tpu.memory_space<hbm>> -> memref<37632xf32, #tpu.memory_space<hbm>>
    tpu.wait_dma2 semaphore(%arg9 : memref<!tpu.dma_semaphore, #tpu.memory_space<semaphore_mem>>) src(%dma_wait3A_142 : memref<37632xf32, #tpu.memory_space<hbm>>) dst(%arg6 : memref<37632xf32, #tpu.memory_space<vmem>>)
    %mul3A_143 = arith.constant 301056 : i32
    %mul3A_144 = arith.muli %add3A, %mul3A_143 : i32
    %add3A_145 = arith.constant 150528 : i32
    %add3A_146 = arith.addi %mul3A_144, %add3A_145 : i32
    %dma_start3A_147 = tpu.memref_slice %arg3[%add3A_146] : memref<9633792xf32, #tpu.memory_space<hbm>> -> memref<37632xf32, #tpu.memory_space<hbm>>
    %dma_start3A_148 = tpu.memref_slice %arg3[%add3A_146] : memref<9633792xf32, #tpu.memory_space<hbm>> -> memref<37632xf32, #tpu.memory_space<hbm>>
    tpu.enqueue_dma source(%arg6 : memref<37632xf32, #tpu.memory_space<vmem>>) target(%dma_start3A_148 : memref<37632xf32, #tpu.memory_space<hbm>>) target_semaphore(%arg12 : memref<!tpu.dma_semaphore, #tpu.memory_space<semaphore_mem>>)
    %mul3A_149 = arith.constant 301056 : i32
    %mul3A_150 = arith.muli %add3A, %mul3A_149 : i32
    %add3A_151 = arith.constant 150528 : i32
    %add3A_152 = arith.addi %mul3A_150, %add3A_151 : i32
    %dma_wait3A_153 = tpu.memref_slice %arg3[%add3A_152] : memref<9633792xf32, #tpu.memory_space<hbm>> -> memref<37632xf32, #tpu.memory_space<hbm>>
    %dma_wait3A_154 = tpu.memref_slice %arg3[%add3A_152] : memref<9633792xf32, #tpu.memory_space<hbm>> -> memref<37632xf32, #tpu.memory_space<hbm>>
    tpu.wait_dma2 semaphore(%arg12 : memref<!tpu.dma_semaphore, #tpu.memory_space<semaphore_mem>>) src(%arg6 : memref<37632xf32, #tpu.memory_space<vmem>>) dst(%dma_wait3A_154 : memref<37632xf32, #tpu.memory_space<hbm>>)
    %mul3A_155 = arith.constant 602112 : i32
    %mul3A_156 = arith.muli %add3A, %mul3A_155 : i32
    %add3A_157 = arith.constant 0 : i32
    %add3A_158 = arith.addi %mul3A_156, %add3A_157 : i32
    %add3A_159 = arith.constant 263424 : i32
    %add3A_160 = arith.addi %add3A_158, %add3A_159 : i32
    %dma_start3A_161 = tpu.memref_slice %arg2[%add3A_160] : memref<19267584xf32, #tpu.memory_space<hbm>> -> memref<37632xf32, #tpu.memory_space<hbm>>
    %dma_start3A_162 = tpu.memref_slice %arg2[%add3A_160] : memref<19267584xf32, #tpu.memory_space<hbm>> -> memref<37632xf32, #tpu.memory_space<hbm>>
    tpu.enqueue_dma source(%dma_start3A_162 : memref<37632xf32, #tpu.memory_space<hbm>>) target(%arg6 : memref<37632xf32, #tpu.memory_space<vmem>>) target_semaphore(%arg9 : memref<!tpu.dma_semaphore, #tpu.memory_space<semaphore_mem>>)
    %mul3A_163 = arith.constant 602112 : i32
    %mul3A_164 = arith.muli %add3A, %mul3A_163 : i32
    %add3A_165 = arith.constant 0 : i32
    %add3A_166 = arith.addi %mul3A_164, %add3A_165 : i32
    %add3A_167 = arith.constant 188160 : i32
    %add3A_168 = arith.addi %add3A_166, %add3A_167 : i32
    %dma_wait3A_169 = tpu.memref_slice %arg2[%add3A_168] : memref<19267584xf32, #tpu.memory_space<hbm>> -> memref<37632xf32, #tpu.memory_space<hbm>>
    %dma_wait3A_170 = tpu.memref_slice %arg2[%add3A_168] : memref<19267584xf32, #tpu.memory_space<hbm>> -> memref<37632xf32, #tpu.memory_space<hbm>>
    tpu.wait_dma2 semaphore(%arg10 : memref<!tpu.dma_semaphore, #tpu.memory_space<semaphore_mem>>) src(%dma_wait3A_170 : memref<37632xf32, #tpu.memory_space<hbm>>) dst(%arg7 : memref<37632xf32, #tpu.memory_space<vmem>>)
    %mul3A_171 = arith.constant 301056 : i32
    %mul3A_172 = arith.muli %add3A, %mul3A_171 : i32
    %add3A_173 = arith.constant 188160 : i32
    %add3A_174 = arith.addi %mul3A_172, %add3A_173 : i32
    %dma_start3A_175 = tpu.memref_slice %arg3[%add3A_174] : memref<9633792xf32, #tpu.memory_space<hbm>> -> memref<37632xf32, #tpu.memory_space<hbm>>
    %dma_start3A_176 = tpu.memref_slice %arg3[%add3A_174] : memref<9633792xf32, #tpu.memory_space<hbm>> -> memref<37632xf32, #tpu.memory_space<hbm>>
    tpu.enqueue_dma source(%arg7 : memref<37632xf32, #tpu.memory_space<vmem>>) target(%dma_start3A_176 : memref<37632xf32, #tpu.memory_space<hbm>>) target_semaphore(%arg13 : memref<!tpu.dma_semaphore, #tpu.memory_space<semaphore_mem>>)
    %mul3A_177 = arith.constant 301056 : i32
    %mul3A_178 = arith.muli %add3A, %mul3A_177 : i32
    %add3A_179 = arith.constant 188160 : i32
    %add3A_180 = arith.addi %mul3A_178, %add3A_179 : i32
    %dma_wait3A_181 = tpu.memref_slice %arg3[%add3A_180] : memref<9633792xf32, #tpu.memory_space<hbm>> -> memref<37632xf32, #tpu.memory_space<hbm>>
    %dma_wait3A_182 = tpu.memref_slice %arg3[%add3A_180] : memref<9633792xf32, #tpu.memory_space<hbm>> -> memref<37632xf32, #tpu.memory_space<hbm>>
    tpu.wait_dma2 semaphore(%arg13 : memref<!tpu.dma_semaphore, #tpu.memory_space<semaphore_mem>>) src(%arg7 : memref<37632xf32, #tpu.memory_space<vmem>>) dst(%dma_wait3A_182 : memref<37632xf32, #tpu.memory_space<hbm>>)
    %mul3A_183 = arith.constant 602112 : i32
    %mul3A_184 = arith.muli %add3A, %mul3A_183 : i32
    %add3A_185 = arith.constant 301056 : i32
    %add3A_186 = arith.addi %mul3A_184, %add3A_185 : i32
    %add3A_187 = arith.constant 0 : i32
    %add3A_188 = arith.addi %add3A_186, %add3A_187 : i32
    %dma_start3A_189 = tpu.memref_slice %arg2[%add3A_188] : memref<19267584xf32, #tpu.memory_space<hbm>> -> memref<37632xf32, #tpu.memory_space<hbm>>
    %dma_start3A_190 = tpu.memref_slice %arg2[%add3A_188] : memref<19267584xf32, #tpu.memory_space<hbm>> -> memref<37632xf32, #tpu.memory_space<hbm>>
    tpu.enqueue_dma source(%dma_start3A_190 : memref<37632xf32, #tpu.memory_space<hbm>>) target(%arg7 : memref<37632xf32, #tpu.memory_space<vmem>>) target_semaphore(%arg10 : memref<!tpu.dma_semaphore, #tpu.memory_space<semaphore_mem>>)
    %mul3A_191 = arith.constant 602112 : i32
    %mul3A_192 = arith.muli %add3A, %mul3A_191 : i32
    %add3A_193 = arith.constant 0 : i32
    %add3A_194 = arith.addi %mul3A_192, %add3A_193 : i32
    %add3A_195 = arith.constant 225792 : i32
    %add3A_196 = arith.addi %add3A_194, %add3A_195 : i32
    %dma_wait3A_197 = tpu.memref_slice %arg2[%add3A_196] : memref<19267584xf32, #tpu.memory_space<hbm>> -> memref<37632xf32, #tpu.memory_space<hbm>>
    %dma_wait3A_198 = tpu.memref_slice %arg2[%add3A_196] : memref<19267584xf32, #tpu.memory_space<hbm>> -> memref<37632xf32, #tpu.memory_space<hbm>>
    tpu.wait_dma2 semaphore(%arg8 : memref<!tpu.dma_semaphore, #tpu.memory_space<semaphore_mem>>) src(%dma_wait3A_198 : memref<37632xf32, #tpu.memory_space<hbm>>) dst(%arg5 : memref<37632xf32, #tpu.memory_space<vmem>>)
    %mul3A_199 = arith.constant 301056 : i32
    %mul3A_200 = arith.muli %add3A, %mul3A_199 : i32
    %add3A_201 = arith.constant 225792 : i32
    %add3A_202 = arith.addi %mul3A_200, %add3A_201 : i32
    %dma_start3A_203 = tpu.memref_slice %arg3[%add3A_202] : memref<9633792xf32, #tpu.memory_space<hbm>> -> memref<37632xf32, #tpu.memory_space<hbm>>
    %dma_start3A_204 = tpu.memref_slice %arg3[%add3A_202] : memref<9633792xf32, #tpu.memory_space<hbm>> -> memref<37632xf32, #tpu.memory_space<hbm>>
    tpu.enqueue_dma source(%arg5 : memref<37632xf32, #tpu.memory_space<vmem>>) target(%dma_start3A_204 : memref<37632xf32, #tpu.memory_space<hbm>>) target_semaphore(%arg11 : memref<!tpu.dma_semaphore, #tpu.memory_space<semaphore_mem>>)
    %mul3A_205 = arith.constant 301056 : i32
    %mul3A_206 = arith.muli %add3A, %mul3A_205 : i32
    %add3A_207 = arith.constant 225792 : i32
    %add3A_208 = arith.addi %mul3A_206, %add3A_207 : i32
    %dma_wait3A_209 = tpu.memref_slice %arg3[%add3A_208] : memref<9633792xf32, #tpu.memory_space<hbm>> -> memref<37632xf32, #tpu.memory_space<hbm>>
    %dma_wait3A_210 = tpu.memref_slice %arg3[%add3A_208] : memref<9633792xf32, #tpu.memory_space<hbm>> -> memref<37632xf32, #tpu.memory_space<hbm>>
    tpu.wait_dma2 semaphore(%arg11 : memref<!tpu.dma_semaphore, #tpu.memory_space<semaphore_mem>>) src(%arg5 : memref<37632xf32, #tpu.memory_space<vmem>>) dst(%dma_wait3A_210 : memref<37632xf32, #tpu.memory_space<hbm>>)
    %mul3A_211 = arith.constant 602112 : i32
    %mul3A_212 = arith.muli %add3A, %mul3A_211 : i32
    %add3A_213 = arith.constant 301056 : i32
    %add3A_214 = arith.addi %mul3A_212, %add3A_213 : i32
    %add3A_215 = arith.constant 37632 : i32
    %add3A_216 = arith.addi %add3A_214, %add3A_215 : i32
    %dma_start3A_217 = tpu.memref_slice %arg2[%add3A_216] : memref<19267584xf32, #tpu.memory_space<hbm>> -> memref<37632xf32, #tpu.memory_space<hbm>>
    %dma_start3A_218 = tpu.memref_slice %arg2[%add3A_216] : memref<19267584xf32, #tpu.memory_space<hbm>> -> memref<37632xf32, #tpu.memory_space<hbm>>
    tpu.enqueue_dma source(%dma_start3A_218 : memref<37632xf32, #tpu.memory_space<hbm>>) target(%arg5 : memref<37632xf32, #tpu.memory_space<vmem>>) target_semaphore(%arg8 : memref<!tpu.dma_semaphore, #tpu.memory_space<semaphore_mem>>)
    %mul3A_219 = arith.constant 602112 : i32
    %mul3A_220 = arith.muli %add3A, %mul3A_219 : i32
    %add3A_221 = arith.constant 0 : i32
    %add3A_222 = arith.addi %mul3A_220, %add3A_221 : i32
    %add3A_223 = arith.constant 263424 : i32
    %add3A_224 = arith.addi %add3A_222, %add3A_223 : i32
    %dma_wait3A_225 = tpu.memref_slice %arg2[%add3A_224] : memref<19267584xf32, #tpu.memory_space<hbm>> -> memref<37632xf32, #tpu.memory_space<hbm>>
    %dma_wait3A_226 = tpu.memref_slice %arg2[%add3A_224] : memref<19267584xf32, #tpu.memory_space<hbm>> -> memref<37632xf32, #tpu.memory_space<hbm>>
    tpu.wait_dma2 semaphore(%arg9 : memref<!tpu.dma_semaphore, #tpu.memory_space<semaphore_mem>>) src(%dma_wait3A_226 : memref<37632xf32, #tpu.memory_space<hbm>>) dst(%arg6 : memref<37632xf32, #tpu.memory_space<vmem>>)
    %mul3A_227 = arith.constant 301056 : i32
    %mul3A_228 = arith.muli %add3A, %mul3A_227 : i32
    %add3A_229 = arith.constant 263424 : i32
    %add3A_230 = arith.addi %mul3A_228, %add3A_229 : i32
    %dma_start3A_231 = tpu.memref_slice %arg3[%add3A_230] : memref<9633792xf32, #tpu.memory_space<hbm>> -> memref<37632xf32, #tpu.memory_space<hbm>>
    %dma_start3A_232 = tpu.memref_slice %arg3[%add3A_230] : memref<9633792xf32, #tpu.memory_space<hbm>> -> memref<37632xf32, #tpu.memory_space<hbm>>
    tpu.enqueue_dma source(%arg6 : memref<37632xf32, #tpu.memory_space<vmem>>) target(%dma_start3A_232 : memref<37632xf32, #tpu.memory_space<hbm>>) target_semaphore(%arg12 : memref<!tpu.dma_semaphore, #tpu.memory_space<semaphore_mem>>)
    %mul3A_233 = arith.constant 301056 : i32
    %mul3A_234 = arith.muli %add3A, %mul3A_233 : i32
    %add3A_235 = arith.constant 263424 : i32
    %add3A_236 = arith.addi %mul3A_234, %add3A_235 : i32
    %dma_wait3A_237 = tpu.memref_slice %arg3[%add3A_236] : memref<9633792xf32, #tpu.memory_space<hbm>> -> memref<37632xf32, #tpu.memory_space<hbm>>
    %dma_wait3A_238 = tpu.memref_slice %arg3[%add3A_236] : memref<9633792xf32, #tpu.memory_space<hbm>> -> memref<37632xf32, #tpu.memory_space<hbm>>
    tpu.wait_dma2 semaphore(%arg12 : memref<!tpu.dma_semaphore, #tpu.memory_space<semaphore_mem>>) src(%arg6 : memref<37632xf32, #tpu.memory_space<vmem>>) dst(%dma_wait3A_238 : memref<37632xf32, #tpu.memory_space<hbm>>)
    %mul3A_239 = arith.constant 602112 : i32
    %mul3A_240 = arith.muli %add3A, %mul3A_239 : i32
    %add3A_241 = arith.constant 301056 : i32
    %add3A_242 = arith.addi %mul3A_240, %add3A_241 : i32
    %add3A_243 = arith.constant 75264 : i32
    %add3A_244 = arith.addi %add3A_242, %add3A_243 : i32
    %dma_start3A_245 = tpu.memref_slice %arg2[%add3A_244] : memref<19267584xf32, #tpu.memory_space<hbm>> -> memref<37632xf32, #tpu.memory_space<hbm>>
    %dma_start3A_246 = tpu.memref_slice %arg2[%add3A_244] : memref<19267584xf32, #tpu.memory_space<hbm>> -> memref<37632xf32, #tpu.memory_space<hbm>>
    tpu.enqueue_dma source(%dma_start3A_246 : memref<37632xf32, #tpu.memory_space<hbm>>) target(%arg6 : memref<37632xf32, #tpu.memory_space<vmem>>) target_semaphore(%arg9 : memref<!tpu.dma_semaphore, #tpu.memory_space<semaphore_mem>>)
    %mul3A_247 = arith.constant 602112 : i32
    %mul3A_248 = arith.muli %add3A, %mul3A_247 : i32
    %add3A_249 = arith.constant 301056 : i32
    %add3A_250 = arith.addi %mul3A_248, %add3A_249 : i32
    %add3A_251 = arith.constant 0 : i32
    %add3A_252 = arith.addi %add3A_250, %add3A_251 : i32
    %dma_wait3A_253 = tpu.memref_slice %arg2[%add3A_252] : memref<19267584xf32, #tpu.memory_space<hbm>> -> memref<37632xf32, #tpu.memory_space<hbm>>
    %dma_wait3A_254 = tpu.memref_slice %arg2[%add3A_252] : memref<19267584xf32, #tpu.memory_space<hbm>> -> memref<37632xf32, #tpu.memory_space<hbm>>
    tpu.wait_dma2 semaphore(%arg10 : memref<!tpu.dma_semaphore, #tpu.memory_space<semaphore_mem>>) src(%dma_wait3A_254 : memref<37632xf32, #tpu.memory_space<hbm>>) dst(%arg7 : memref<37632xf32, #tpu.memory_space<vmem>>)
    %mul3A_255 = arith.constant 301056 : i32
    %mul3A_256 = arith.muli %add3A, %mul3A_255 : i32
    %add3A_257 = arith.constant 0 : i32
    %add3A_258 = arith.addi %mul3A_256, %add3A_257 : i32
    %dma_start3A_259 = tpu.memref_slice %arg4[%add3A_258] : memref<9633792xf32, #tpu.memory_space<hbm>> -> memref<37632xf32, #tpu.memory_space<hbm>>
    %dma_start3A_260 = tpu.memref_slice %arg4[%add3A_258] : memref<9633792xf32, #tpu.memory_space<hbm>> -> memref<37632xf32, #tpu.memory_space<hbm>>
    tpu.enqueue_dma source(%arg7 : memref<37632xf32, #tpu.memory_space<vmem>>) target(%dma_start3A_260 : memref<37632xf32, #tpu.memory_space<hbm>>) target_semaphore(%arg13 : memref<!tpu.dma_semaphore, #tpu.memory_space<semaphore_mem>>)
    %mul3A_261 = arith.constant 301056 : i32
    %mul3A_262 = arith.muli %add3A, %mul3A_261 : i32
    %add3A_263 = arith.constant 0 : i32
    %add3A_264 = arith.addi %mul3A_262, %add3A_263 : i32
    %dma_wait3A_265 = tpu.memref_slice %arg4[%add3A_264] : memref<9633792xf32, #tpu.memory_space<hbm>> -> memref<37632xf32, #tpu.memory_space<hbm>>
    %dma_wait3A_266 = tpu.memref_slice %arg4[%add3A_264] : memref<9633792xf32, #tpu.memory_space<hbm>> -> memref<37632xf32, #tpu.memory_space<hbm>>
    tpu.wait_dma2 semaphore(%arg13 : memref<!tpu.dma_semaphore, #tpu.memory_space<semaphore_mem>>) src(%arg7 : memref<37632xf32, #tpu.memory_space<vmem>>) dst(%dma_wait3A_266 : memref<37632xf32, #tpu.memory_space<hbm>>)
    %mul3A_267 = arith.constant 602112 : i32
    %mul3A_268 = arith.muli %add3A, %mul3A_267 : i32
    %add3A_269 = arith.constant 301056 : i32
    %add3A_270 = arith.addi %mul3A_268, %add3A_269 : i32
    %add3A_271 = arith.constant 112896 : i32
    %add3A_272 = arith.addi %add3A_270, %add3A_271 : i32
    %dma_start3A_273 = tpu.memref_slice %arg2[%add3A_272] : memref<19267584xf32, #tpu.memory_space<hbm>> -> memref<37632xf32, #tpu.memory_space<hbm>>
    %dma_start3A_274 = tpu.memref_slice %arg2[%add3A_272] : memref<19267584xf32, #tpu.memory_space<hbm>> -> memref<37632xf32, #tpu.memory_space<hbm>>
    tpu.enqueue_dma source(%dma_start3A_274 : memref<37632xf32, #tpu.memory_space<hbm>>) target(%arg7 : memref<37632xf32, #tpu.memory_space<vmem>>) target_semaphore(%arg10 : memref<!tpu.dma_semaphore, #tpu.memory_space<semaphore_mem>>)
    %mul3A_275 = arith.constant 602112 : i32
    %mul3A_276 = arith.muli %add3A, %mul3A_275 : i32
    %add3A_277 = arith.constant 301056 : i32
    %add3A_278 = arith.addi %mul3A_276, %add3A_277 : i32
    %add3A_279 = arith.constant 37632 : i32
    %add3A_280 = arith.addi %add3A_278, %add3A_279 : i32
    %dma_wait3A_281 = tpu.memref_slice %arg2[%add3A_280] : memref<19267584xf32, #tpu.memory_space<hbm>> -> memref<37632xf32, #tpu.memory_space<hbm>>
    %dma_wait3A_282 = tpu.memref_slice %arg2[%add3A_280] : memref<19267584xf32, #tpu.memory_space<hbm>> -> memref<37632xf32, #tpu.memory_space<hbm>>
    tpu.wait_dma2 semaphore(%arg8 : memref<!tpu.dma_semaphore, #tpu.memory_space<semaphore_mem>>) src(%dma_wait3A_282 : memref<37632xf32, #tpu.memory_space<hbm>>) dst(%arg5 : memref<37632xf32, #tpu.memory_space<vmem>>)
    %mul3A_283 = arith.constant 301056 : i32
    %mul3A_284 = arith.muli %add3A, %mul3A_283 : i32
    %add3A_285 = arith.constant 37632 : i32
    %add3A_286 = arith.addi %mul3A_284, %add3A_285 : i32
    %dma_start3A_287 = tpu.memref_slice %arg4[%add3A_286] : memref<9633792xf32, #tpu.memory_space<hbm>> -> memref<37632xf32, #tpu.memory_space<hbm>>
    %dma_start3A_288 = tpu.memref_slice %arg4[%add3A_286] : memref<9633792xf32, #tpu.memory_space<hbm>> -> memref<37632xf32, #tpu.memory_space<hbm>>
    tpu.enqueue_dma source(%arg5 : memref<37632xf32, #tpu.memory_space<vmem>>) target(%dma_start3A_288 : memref<37632xf32, #tpu.memory_space<hbm>>) target_semaphore(%arg11 : memref<!tpu.dma_semaphore, #tpu.memory_space<semaphore_mem>>)
    %mul3A_289 = arith.constant 301056 : i32
    %mul3A_290 = arith.muli %add3A, %mul3A_289 : i32
    %add3A_291 = arith.constant 37632 : i32
    %add3A_292 = arith.addi %mul3A_290, %add3A_291 : i32
    %dma_wait3A_293 = tpu.memref_slice %arg4[%add3A_292] : memref<9633792xf32, #tpu.memory_space<hbm>> -> memref<37632xf32, #tpu.memory_space<hbm>>
    %dma_wait3A_294 = tpu.memref_slice %arg4[%add3A_292] : memref<9633792xf32, #tpu.memory_space<hbm>> -> memref<37632xf32, #tpu.memory_space<hbm>>
    tpu.wait_dma2 semaphore(%arg11 : memref<!tpu.dma_semaphore, #tpu.memory_space<semaphore_mem>>) src(%arg5 : memref<37632xf32, #tpu.memory_space<vmem>>) dst(%dma_wait3A_294 : memref<37632xf32, #tpu.memory_space<hbm>>)
    %mul3A_295 = arith.constant 602112 : i32
    %mul3A_296 = arith.muli %add3A, %mul3A_295 : i32
    %add3A_297 = arith.constant 301056 : i32
    %add3A_298 = arith.addi %mul3A_296, %add3A_297 : i32
    %add3A_299 = arith.constant 150528 : i32
    %add3A_300 = arith.addi %add3A_298, %add3A_299 : i32
    %dma_start3A_301 = tpu.memref_slice %arg2[%add3A_300] : memref<19267584xf32, #tpu.memory_space<hbm>> -> memref<37632xf32, #tpu.memory_space<hbm>>
    %dma_start3A_302 = tpu.memref_slice %arg2[%add3A_300] : memref<19267584xf32, #tpu.memory_space<hbm>> -> memref<37632xf32, #tpu.memory_space<hbm>>
    tpu.enqueue_dma source(%dma_start3A_302 : memref<37632xf32, #tpu.memory_space<hbm>>) target(%arg5 : memref<37632xf32, #tpu.memory_space<vmem>>) target_semaphore(%arg8 : memref<!tpu.dma_semaphore, #tpu.memory_space<semaphore_mem>>)
    %mul3A_303 = arith.constant 602112 : i32
    %mul3A_304 = arith.muli %add3A, %mul3A_303 : i32
    %add3A_305 = arith.constant 301056 : i32
    %add3A_306 = arith.addi %mul3A_304, %add3A_305 : i32
    %add3A_307 = arith.constant 75264 : i32
    %add3A_308 = arith.addi %add3A_306, %add3A_307 : i32
    %dma_wait3A_309 = tpu.memref_slice %arg2[%add3A_308] : memref<19267584xf32, #tpu.memory_space<hbm>> -> memref<37632xf32, #tpu.memory_space<hbm>>
    %dma_wait3A_310 = tpu.memref_slice %arg2[%add3A_308] : memref<19267584xf32, #tpu.memory_space<hbm>> -> memref<37632xf32, #tpu.memory_space<hbm>>
    tpu.wait_dma2 semaphore(%arg9 : memref<!tpu.dma_semaphore, #tpu.memory_space<semaphore_mem>>) src(%dma_wait3A_310 : memref<37632xf32, #tpu.memory_space<hbm>>) dst(%arg6 : memref<37632xf32, #tpu.memory_space<vmem>>)
    %mul3A_311 = arith.constant 301056 : i32
    %mul3A_312 = arith.muli %add3A, %mul3A_311 : i32
    %add3A_313 = arith.constant 75264 : i32
    %add3A_314 = arith.addi %mul3A_312, %add3A_313 : i32
    %dma_start3A_315 = tpu.memref_slice %arg4[%add3A_314] : memref<9633792xf32, #tpu.memory_space<hbm>> -> memref<37632xf32, #tpu.memory_space<hbm>>
    %dma_start3A_316 = tpu.memref_slice %arg4[%add3A_314] : memref<9633792xf32, #tpu.memory_space<hbm>> -> memref<37632xf32, #tpu.memory_space<hbm>>
    tpu.enqueue_dma source(%arg6 : memref<37632xf32, #tpu.memory_space<vmem>>) target(%dma_start3A_316 : memref<37632xf32, #tpu.memory_space<hbm>>) target_semaphore(%arg12 : memref<!tpu.dma_semaphore, #tpu.memory_space<semaphore_mem>>)
    %mul3A_317 = arith.constant 301056 : i32
    %mul3A_318 = arith.muli %add3A, %mul3A_317 : i32
    %add3A_319 = arith.constant 75264 : i32
    %add3A_320 = arith.addi %mul3A_318, %add3A_319 : i32
    %dma_wait3A_321 = tpu.memref_slice %arg4[%add3A_320] : memref<9633792xf32, #tpu.memory_space<hbm>> -> memref<37632xf32, #tpu.memory_space<hbm>>
    %dma_wait3A_322 = tpu.memref_slice %arg4[%add3A_320] : memref<9633792xf32, #tpu.memory_space<hbm>> -> memref<37632xf32, #tpu.memory_space<hbm>>
    tpu.wait_dma2 semaphore(%arg12 : memref<!tpu.dma_semaphore, #tpu.memory_space<semaphore_mem>>) src(%arg6 : memref<37632xf32, #tpu.memory_space<vmem>>) dst(%dma_wait3A_322 : memref<37632xf32, #tpu.memory_space<hbm>>)
    %mul3A_323 = arith.constant 602112 : i32
    %mul3A_324 = arith.muli %add3A, %mul3A_323 : i32
    %add3A_325 = arith.constant 301056 : i32
    %add3A_326 = arith.addi %mul3A_324, %add3A_325 : i32
    %add3A_327 = arith.constant 188160 : i32
    %add3A_328 = arith.addi %add3A_326, %add3A_327 : i32
    %dma_start3A_329 = tpu.memref_slice %arg2[%add3A_328] : memref<19267584xf32, #tpu.memory_space<hbm>> -> memref<37632xf32, #tpu.memory_space<hbm>>
    %dma_start3A_330 = tpu.memref_slice %arg2[%add3A_328] : memref<19267584xf32, #tpu.memory_space<hbm>> -> memref<37632xf32, #tpu.memory_space<hbm>>
    tpu.enqueue_dma source(%dma_start3A_330 : memref<37632xf32, #tpu.memory_space<hbm>>) target(%arg6 : memref<37632xf32, #tpu.memory_space<vmem>>) target_semaphore(%arg9 : memref<!tpu.dma_semaphore, #tpu.memory_space<semaphore_mem>>)
    %mul3A_331 = arith.constant 602112 : i32
    %mul3A_332 = arith.muli %add3A, %mul3A_331 : i32
    %add3A_333 = arith.constant 301056 : i32
    %add3A_334 = arith.addi %mul3A_332, %add3A_333 : i32
    %add3A_335 = arith.constant 112896 : i32
    %add3A_336 = arith.addi %add3A_334, %add3A_335 : i32
    %dma_wait3A_337 = tpu.memref_slice %arg2[%add3A_336] : memref<19267584xf32, #tpu.memory_space<hbm>> -> memref<37632xf32, #tpu.memory_space<hbm>>
    %dma_wait3A_338 = tpu.memref_slice %arg2[%add3A_336] : memref<19267584xf32, #tpu.memory_space<hbm>> -> memref<37632xf32, #tpu.memory_space<hbm>>
    tpu.wait_dma2 semaphore(%arg10 : memref<!tpu.dma_semaphore, #tpu.memory_space<semaphore_mem>>) src(%dma_wait3A_338 : memref<37632xf32, #tpu.memory_space<hbm>>) dst(%arg7 : memref<37632xf32, #tpu.memory_space<vmem>>)
    %mul3A_339 = arith.constant 301056 : i32
    %mul3A_340 = arith.muli %add3A, %mul3A_339 : i32
    %add3A_341 = arith.constant 112896 : i32
    %add3A_342 = arith.addi %mul3A_340, %add3A_341 : i32
    %dma_start3A_343 = tpu.memref_slice %arg4[%add3A_342] : memref<9633792xf32, #tpu.memory_space<hbm>> -> memref<37632xf32, #tpu.memory_space<hbm>>
    %dma_start3A_344 = tpu.memref_slice %arg4[%add3A_342] : memref<9633792xf32, #tpu.memory_space<hbm>> -> memref<37632xf32, #tpu.memory_space<hbm>>
    tpu.enqueue_dma source(%arg7 : memref<37632xf32, #tpu.memory_space<vmem>>) target(%dma_start3A_344 : memref<37632xf32, #tpu.memory_space<hbm>>) target_semaphore(%arg13 : memref<!tpu.dma_semaphore, #tpu.memory_space<semaphore_mem>>)
    %mul3A_345 = arith.constant 301056 : i32
    %mul3A_346 = arith.muli %add3A, %mul3A_345 : i32
    %add3A_347 = arith.constant 112896 : i32
    %add3A_348 = arith.addi %mul3A_346, %add3A_347 : i32
    %dma_wait3A_349 = tpu.memref_slice %arg4[%add3A_348] : memref<9633792xf32, #tpu.memory_space<hbm>> -> memref<37632xf32, #tpu.memory_space<hbm>>
    %dma_wait3A_350 = tpu.memref_slice %arg4[%add3A_348] : memref<9633792xf32, #tpu.memory_space<hbm>> -> memref<37632xf32, #tpu.memory_space<hbm>>
    tpu.wait_dma2 semaphore(%arg13 : memref<!tpu.dma_semaphore, #tpu.memory_space<semaphore_mem>>) src(%arg7 : memref<37632xf32, #tpu.memory_space<vmem>>) dst(%dma_wait3A_350 : memref<37632xf32, #tpu.memory_space<hbm>>)
    %mul3A_351 = arith.constant 602112 : i32
    %mul3A_352 = arith.muli %add3A, %mul3A_351 : i32
    %add3A_353 = arith.constant 301056 : i32
    %add3A_354 = arith.addi %mul3A_352, %add3A_353 : i32
    %add3A_355 = arith.constant 225792 : i32
    %add3A_356 = arith.addi %add3A_354, %add3A_355 : i32
    %dma_start3A_357 = tpu.memref_slice %arg2[%add3A_356] : memref<19267584xf32, #tpu.memory_space<hbm>> -> memref<37632xf32, #tpu.memory_space<hbm>>
    %dma_start3A_358 = tpu.memref_slice %arg2[%add3A_356] : memref<19267584xf32, #tpu.memory_space<hbm>> -> memref<37632xf32, #tpu.memory_space<hbm>>
    tpu.enqueue_dma source(%dma_start3A_358 : memref<37632xf32, #tpu.memory_space<hbm>>) target(%arg7 : memref<37632xf32, #tpu.memory_space<vmem>>) target_semaphore(%arg10 : memref<!tpu.dma_semaphore, #tpu.memory_space<semaphore_mem>>)
    %mul3A_359 = arith.constant 602112 : i32
    %mul3A_360 = arith.muli %add3A, %mul3A_359 : i32
    %add3A_361 = arith.constant 301056 : i32
    %add3A_362 = arith.addi %mul3A_360, %add3A_361 : i32
    %add3A_363 = arith.constant 150528 : i32
    %add3A_364 = arith.addi %add3A_362, %add3A_363 : i32
    %dma_wait3A_365 = tpu.memref_slice %arg2[%add3A_364] : memref<19267584xf32, #tpu.memory_space<hbm>> -> memref<37632xf32, #tpu.memory_space<hbm>>
    %dma_wait3A_366 = tpu.memref_slice %arg2[%add3A_364] : memref<19267584xf32, #tpu.memory_space<hbm>> -> memref<37632xf32, #tpu.memory_space<hbm>>
    tpu.wait_dma2 semaphore(%arg8 : memref<!tpu.dma_semaphore, #tpu.memory_space<semaphore_mem>>) src(%dma_wait3A_366 : memref<37632xf32, #tpu.memory_space<hbm>>) dst(%arg5 : memref<37632xf32, #tpu.memory_space<vmem>>)
    %mul3A_367 = arith.constant 301056 : i32
    %mul3A_368 = arith.muli %add3A, %mul3A_367 : i32
    %add3A_369 = arith.constant 150528 : i32
    %add3A_370 = arith.addi %mul3A_368, %add3A_369 : i32
    %dma_start3A_371 = tpu.memref_slice %arg4[%add3A_370] : memref<9633792xf32, #tpu.memory_space<hbm>> -> memref<37632xf32, #tpu.memory_space<hbm>>
    %dma_start3A_372 = tpu.memref_slice %arg4[%add3A_370] : memref<9633792xf32, #tpu.memory_space<hbm>> -> memref<37632xf32, #tpu.memory_space<hbm>>
    tpu.enqueue_dma source(%arg5 : memref<37632xf32, #tpu.memory_space<vmem>>) target(%dma_start3A_372 : memref<37632xf32, #tpu.memory_space<hbm>>) target_semaphore(%arg11 : memref<!tpu.dma_semaphore, #tpu.memory_space<semaphore_mem>>)
    %mul3A_373 = arith.constant 301056 : i32
    %mul3A_374 = arith.muli %add3A, %mul3A_373 : i32
    %add3A_375 = arith.constant 150528 : i32
    %add3A_376 = arith.addi %mul3A_374, %add3A_375 : i32
    %dma_wait3A_377 = tpu.memref_slice %arg4[%add3A_376] : memref<9633792xf32, #tpu.memory_space<hbm>> -> memref<37632xf32, #tpu.memory_space<hbm>>
    %dma_wait3A_378 = tpu.memref_slice %arg4[%add3A_376] : memref<9633792xf32, #tpu.memory_space<hbm>> -> memref<37632xf32, #tpu.memory_space<hbm>>
    tpu.wait_dma2 semaphore(%arg11 : memref<!tpu.dma_semaphore, #tpu.memory_space<semaphore_mem>>) src(%arg5 : memref<37632xf32, #tpu.memory_space<vmem>>) dst(%dma_wait3A_378 : memref<37632xf32, #tpu.memory_space<hbm>>)
    %mul3A_379 = arith.constant 602112 : i32
    %mul3A_380 = arith.muli %add3A, %mul3A_379 : i32
    %add3A_381 = arith.constant 301056 : i32
    %add3A_382 = arith.addi %mul3A_380, %add3A_381 : i32
    %add3A_383 = arith.constant 263424 : i32
    %add3A_384 = arith.addi %add3A_382, %add3A_383 : i32
    %dma_start3A_385 = tpu.memref_slice %arg2[%add3A_384] : memref<19267584xf32, #tpu.memory_space<hbm>> -> memref<37632xf32, #tpu.memory_space<hbm>>
    %dma_start3A_386 = tpu.memref_slice %arg2[%add3A_384] : memref<19267584xf32, #tpu.memory_space<hbm>> -> memref<37632xf32, #tpu.memory_space<hbm>>
    tpu.enqueue_dma source(%dma_start3A_386 : memref<37632xf32, #tpu.memory_space<hbm>>) target(%arg5 : memref<37632xf32, #tpu.memory_space<vmem>>) target_semaphore(%arg8 : memref<!tpu.dma_semaphore, #tpu.memory_space<semaphore_mem>>)
    %mul3A_387 = arith.constant 602112 : i32
    %mul3A_388 = arith.muli %add3A, %mul3A_387 : i32
    %add3A_389 = arith.constant 301056 : i32
    %add3A_390 = arith.addi %mul3A_388, %add3A_389 : i32
    %add3A_391 = arith.constant 188160 : i32
    %add3A_392 = arith.addi %add3A_390, %add3A_391 : i32
    %dma_wait3A_393 = tpu.memref_slice %arg2[%add3A_392] : memref<19267584xf32, #tpu.memory_space<hbm>> -> memref<37632xf32, #tpu.memory_space<hbm>>
    %dma_wait3A_394 = tpu.memref_slice %arg2[%add3A_392] : memref<19267584xf32, #tpu.memory_space<hbm>> -> memref<37632xf32, #tpu.memory_space<hbm>>
    tpu.wait_dma2 semaphore(%arg9 : memref<!tpu.dma_semaphore, #tpu.memory_space<semaphore_mem>>) src(%dma_wait3A_394 : memref<37632xf32, #tpu.memory_space<hbm>>) dst(%arg6 : memref<37632xf32, #tpu.memory_space<vmem>>)
    %mul3A_395 = arith.constant 301056 : i32
    %mul3A_396 = arith.muli %add3A, %mul3A_395 : i32
    %add3A_397 = arith.constant 188160 : i32
    %add3A_398 = arith.addi %mul3A_396, %add3A_397 : i32
    %dma_start3A_399 = tpu.memref_slice %arg4[%add3A_398] : memref<9633792xf32, #tpu.memory_space<hbm>> -> memref<37632xf32, #tpu.memory_space<hbm>>
    %dma_start3A_400 = tpu.memref_slice %arg4[%add3A_398] : memref<9633792xf32, #tpu.memory_space<hbm>> -> memref<37632xf32, #tpu.memory_space<hbm>>
    tpu.enqueue_dma source(%arg6 : memref<37632xf32, #tpu.memory_space<vmem>>) target(%dma_start3A_400 : memref<37632xf32, #tpu.memory_space<hbm>>) target_semaphore(%arg12 : memref<!tpu.dma_semaphore, #tpu.memory_space<semaphore_mem>>)
    %mul3A_401 = arith.constant 602112 : i32
    %mul3A_402 = arith.muli %add3A, %mul3A_401 : i32
    %add3A_403 = arith.constant 301056 : i32
    %add3A_404 = arith.addi %mul3A_402, %add3A_403 : i32
    %add3A_405 = arith.constant 225792 : i32
    %add3A_406 = arith.addi %add3A_404, %add3A_405 : i32
    %dma_wait3A_407 = tpu.memref_slice %arg2[%add3A_406] : memref<19267584xf32, #tpu.memory_space<hbm>> -> memref<37632xf32, #tpu.memory_space<hbm>>
    %dma_wait3A_408 = tpu.memref_slice %arg2[%add3A_406] : memref<19267584xf32, #tpu.memory_space<hbm>> -> memref<37632xf32, #tpu.memory_space<hbm>>
    tpu.wait_dma2 semaphore(%arg10 : memref<!tpu.dma_semaphore, #tpu.memory_space<semaphore_mem>>) src(%dma_wait3A_408 : memref<37632xf32, #tpu.memory_space<hbm>>) dst(%arg7 : memref<37632xf32, #tpu.memory_space<vmem>>)
    %mul3A_409 = arith.constant 301056 : i32
    %mul3A_410 = arith.muli %add3A, %mul3A_409 : i32
    %add3A_411 = arith.constant 225792 : i32
    %add3A_412 = arith.addi %mul3A_410, %add3A_411 : i32
    %dma_start3A_413 = tpu.memref_slice %arg4[%add3A_412] : memref<9633792xf32, #tpu.memory_space<hbm>> -> memref<37632xf32, #tpu.memory_space<hbm>>
    %dma_start3A_414 = tpu.memref_slice %arg4[%add3A_412] : memref<9633792xf32, #tpu.memory_space<hbm>> -> memref<37632xf32, #tpu.memory_space<hbm>>
    tpu.enqueue_dma source(%arg7 : memref<37632xf32, #tpu.memory_space<vmem>>) target(%dma_start3A_414 : memref<37632xf32, #tpu.memory_space<hbm>>) target_semaphore(%arg13 : memref<!tpu.dma_semaphore, #tpu.memory_space<semaphore_mem>>)
    %mul3A_415 = arith.constant 602112 : i32
    %mul3A_416 = arith.muli %add3A, %mul3A_415 : i32
    %add3A_417 = arith.constant 301056 : i32
    %add3A_418 = arith.addi %mul3A_416, %add3A_417 : i32
    %add3A_419 = arith.constant 263424 : i32
    %add3A_420 = arith.addi %add3A_418, %add3A_419 : i32
    %dma_wait3A_421 = tpu.memref_slice %arg2[%add3A_420] : memref<19267584xf32, #tpu.memory_space<hbm>> -> memref<37632xf32, #tpu.memory_space<hbm>>
    %dma_wait3A_422 = tpu.memref_slice %arg2[%add3A_420] : memref<19267584xf32, #tpu.memory_space<hbm>> -> memref<37632xf32, #tpu.memory_space<hbm>>
    tpu.wait_dma2 semaphore(%arg8 : memref<!tpu.dma_semaphore, #tpu.memory_space<semaphore_mem>>) src(%dma_wait3A_422 : memref<37632xf32, #tpu.memory_space<hbm>>) dst(%arg5 : memref<37632xf32, #tpu.memory_space<vmem>>)
    %mul3A_423 = arith.constant 301056 : i32
    %mul3A_424 = arith.muli %add3A, %mul3A_423 : i32
    %add3A_425 = arith.constant 263424 : i32
    %add3A_426 = arith.addi %mul3A_424, %add3A_425 : i32
    %dma_start3A_427 = tpu.memref_slice %arg4[%add3A_426] : memref<9633792xf32, #tpu.memory_space<hbm>> -> memref<37632xf32, #tpu.memory_space<hbm>>
    %dma_start3A_428 = tpu.memref_slice %arg4[%add3A_426] : memref<9633792xf32, #tpu.memory_space<hbm>> -> memref<37632xf32, #tpu.memory_space<hbm>>
    tpu.enqueue_dma source(%arg5 : memref<37632xf32, #tpu.memory_space<vmem>>) target(%dma_start3A_428 : memref<37632xf32, #tpu.memory_space<hbm>>) target_semaphore(%arg11 : memref<!tpu.dma_semaphore, #tpu.memory_space<semaphore_mem>>)
    %mul3A_429 = arith.constant 301056 : i32
    %mul3A_430 = arith.muli %add3A, %mul3A_429 : i32
    %add3A_431 = arith.constant 188160 : i32
    %add3A_432 = arith.addi %mul3A_430, %add3A_431 : i32
    %dma_wait3A_433 = tpu.memref_slice %arg4[%add3A_432] : memref<9633792xf32, #tpu.memory_space<hbm>> -> memref<37632xf32, #tpu.memory_space<hbm>>
    %dma_wait3A_434 = tpu.memref_slice %arg4[%add3A_432] : memref<9633792xf32, #tpu.memory_space<hbm>> -> memref<37632xf32, #tpu.memory_space<hbm>>
    tpu.wait_dma2 semaphore(%arg12 : memref<!tpu.dma_semaphore, #tpu.memory_space<semaphore_mem>>) src(%arg6 : memref<37632xf32, #tpu.memory_space<vmem>>) dst(%dma_wait3A_434 : memref<37632xf32, #tpu.memory_space<hbm>>)
    %mul3A_435 = arith.constant 301056 : i32
    %mul3A_436 = arith.muli %add3A, %mul3A_435 : i32
    %add3A_437 = arith.constant 225792 : i32
    %add3A_438 = arith.addi %mul3A_436, %add3A_437 : i32
    %dma_wait3A_439 = tpu.memref_slice %arg4[%add3A_438] : memref<9633792xf32, #tpu.memory_space<hbm>> -> memref<37632xf32, #tpu.memory_space<hbm>>
    %dma_wait3A_440 = tpu.memref_slice %arg4[%add3A_438] : memref<9633792xf32, #tpu.memory_space<hbm>> -> memref<37632xf32, #tpu.memory_space<hbm>>
    tpu.wait_dma2 semaphore(%arg13 : memref<!tpu.dma_semaphore, #tpu.memory_space<semaphore_mem>>) src(%arg7 : memref<37632xf32, #tpu.memory_space<vmem>>) dst(%dma_wait3A_440 : memref<37632xf32, #tpu.memory_space<hbm>>)
    %mul3A_441 = arith.constant 301056 : i32
    %mul3A_442 = arith.muli %add3A, %mul3A_441 : i32
    %add3A_443 = arith.constant 263424 : i32
    %add3A_444 = arith.addi %mul3A_442, %add3A_443 : i32
    %dma_wait3A_445 = tpu.memref_slice %arg4[%add3A_444] : memref<9633792xf32, #tpu.memory_space<hbm>> -> memref<37632xf32, #tpu.memory_space<hbm>>
    %dma_wait3A_446 = tpu.memref_slice %arg4[%add3A_444] : memref<9633792xf32, #tpu.memory_space<hbm>> -> memref<37632xf32, #tpu.memory_space<hbm>>
    tpu.wait_dma2 semaphore(%arg11 : memref<!tpu.dma_semaphore, #tpu.memory_space<semaphore_mem>>) src(%arg5 : memref<37632xf32, #tpu.memory_space<vmem>>) dst(%dma_wait3A_446 : memref<37632xf32, #tpu.memory_space<hbm>>)
    return
  }
}

</mosaic_0001>

<sc_bundles>
// kernel: kernel.3.cloned.1.call-start
scs
__scs_entry_jumppad:
0x0: {  	(pc) =	sbr.rel $0x88, $3  }
0x1: {  	(tag) =	ssettag $0x0;
	lr =	simm.s32 $0x1  }
0x2: {  	[smem:$0x3FA0] =	sst lr;
	_ =	strace $0xD0000000  }
0x3: {  	_ = 	snop  }
0x4: {  	_ = 	snop  }
0x5: {  	_ = 	snop  }
0x6: {  	_ = 	snop  }
0x7: {  	_ = 	snop  }
__scs_overlays_trampoline_lowered:
0x8: {  	[smem:$0x3FAF] =	sst s0  }
0x9: {  	[smem:$0x3FB0] =	sst s1  }
0xa: {  	[smem:$0x3FB1] =	sst s2  }
0xb: {  	[smem:$0x3FB2] =	sst s3  }
0xc: {  	[smem:$0x3FB3] =	sst s4  }
0xd: {  	[smem:$0x3FB4] =	sst s5  }
0xe: {  	[smem:$0x3FB5] =	sst s6  }
0xf: {  	[smem:$0x3FB6] =	sst s7  }
0x10: {  	[smem:$0x3FB7] =	sst s8  }
0x11: {  	[smem:$0x3FB8] =	sst s9;
	s0 =	simm.s32 @!p0 $0x0  }
0x12: {  	s1 =	sld [smem:$0x3F9E];
	s0 =	simm.s32 @p0 $0x1  }
0x13: {  	[smem:$0x3FB9] =	sst s0;
	s0 =	simm.s32 @!p1 $0x0  }
0x14: {  	s2 =	sld [smem:$0x3F9D];
	s0 =	simm.s32 @p1 $0x1  }
0x15: {  	[smem:$0x3FBA] =	sst s0;
	s0 =	simm.s32 @!p2 $0x0  }
0x16: {  	s3 =	sld [smem:$0x3FDB];
	s0 =	simm.s32 @p2 $0x1  }
0x17: {  	s4 =	simm.s32 $0x1BF5;
	[smem:$0x3FBC] =	sst s0  }
0x18: {  	s0 =	sld [smem:$0x3F9F];
	_ =	swait.ge [sflag:s4], $0x0  }
0x19: {  	s7 =	sld [smem:$0x3FA0]  }
0x1a: {  	s8 =	sadd.s32 $0xFFFFE003, lr  }
0x1b: {  	s9 =	sadd.s32 $0xFFFFFEF7, lr;
	s5 =	simm.s32 $0xFFFFFFFF;
	p2 =	slt.u32 s8, $0xFFFFF086  }
0x1c: {  	p1 =	slt.u32 s9, $0xF7A;
	s5 =	simm.s32 @!p2 $0x0  }
0x1d: {  	s5 =	simm.s32 @p1 $0x1;
	p0 =	seq.s32 s7, s2  }
0x1e: {  	s7 =	smul.u32 @!p0 $0xF7A, s2;
	p2 =	seq.s32 @!p0 s5, $0x0  }
0x1f: {  	s9 =	smul.u32 $0xF7A, s1;
	s8 =	simm.s32 @!p0 $0x1BF5;
	p2 =	por !p2, p0  }
0x20: {  	[sflag:s8] =	ssyncset.s32 @!p0 $0xFFFFF086;
	s6 =	sadd.s32 @!p0 s3, s7;
	s7 =	simm.s32 @!p0 $0x108  }
0x21: {  	s3 =	sadd.s32 s3, s9;
	s6 =	sadd.s32 @!p0 $0x88, s6;
	s7 =	simm.s32 @p2 $0x1082  }
0x22: {  	[simem:s7], [sflag:s8] =	dma.local @!p0 [hbm:s6], $0xF7A  }
0x23: {  	s9 =	sor.u32 $0xD0000000, s2;
	s6 =	simm.s32 $0x108;
	_ =	swait.ge @!p0 [sflag:s8], $0x0  }
0x24: {  	s3 =	sadd.s32 $0x88, s3;
	s6 =	simm.s32 @!p1 $0x1082;
	[sflag:s4] =	ssyncset.s32 $0xFFFFF086  }
0x25: {  	[simem:s6], [sflag:s4] =	dma.local [hbm:s3], $0xF7A  }
0x26: {  	[smem:$0x3FA0] =	sst s1;
	(tag) =	ssettag s2;
	_ =	strace s9  }
0x27: {  	s1 =	sld [smem:$0x3FB0]  }
0x28: {  	s2 =	sld [smem:$0x3FB1]  }
0x29: {  	s4 =	sld [smem:$0x3FB3]  }
0x2a: {  	p0 =	seq.s32 s5, $0x0;
	s5 =	sld [smem:$0x3FB4]  }
0x2b: {  	s6 =	sld [smem:$0x3FB5]  }
0x2c: {  	s7 =	sld [smem:$0x3FB6]  }
0x2d: {  	s3 =	simm.s32 $0x108;
	s8 =	sld [smem:$0x3FB7]  }
0x2e: {  	s3 =	simm.s32 @!p0 $0x1082;
	s9 =	sld [smem:$0x3FB8]  }
0x2f: {  	lr =	sadd.s32 s0, s3;
	s0 =	sld [smem:$0x3FAF]  }
0x30: {  	s3 =	sld [smem:$0x3FB2]  }
0x31: {  	[smem:$0x3FBB] =	sst s10  }
0x32: {  	s10 =	sld [smem:$0x3FB9];
	_ =	sdelay $0x3  }
0x33: {  	p0 =	seq.s32 s10, $0x1;
	s10 =	sld [smem:$0x3FBB];
	_ =	sdelay $0x3  }
0x34: {  	[smem:$0x3FBB] =	sst s10  }
0x35: {  	s10 =	sld [smem:$0x3FBA];
	_ =	sdelay $0x3  }
0x36: {  	p1 =	seq.s32 s10, $0x1;
	s10 =	sld [smem:$0x3FBB];
	_ =	sdelay $0x3  }
0x37: {  	[smem:$0x3FBB] =	sst s10  }
0x38: {  	s10 =	sld [smem:$0x3FBC]  }
0x39: {  	_ = 	snop;
	(pc) =	sbr.ind lr, $3  }
0x3a: {  	_ = 	snop  }
0x3b: {  	_ = 	snop  }
0x3c: {  	p2 =	seq.s32 s10, $0x1;
	s10 =	sld [smem:$0x3FBB]  }
0x3d: {  	_ =	shalt  }
0x3e: {  	_ =	shalt  }
0x3f: {  	_ =	shalt  }
0x40: {  	_ =	shalt  }
0x41: {  	_ =	shalt  }
0x42: {  	_ =	shalt  }
0x43: {  	_ =	shalt  }
0x44: {  	_ =	shalt  }
0x45: {  	_ =	shalt  }
0x46: {  	_ =	shalt  }
0x47: {  	_ =	shalt  }
0x48: {  	_ =	shalt  }
0x49: {  	_ =	shalt  }
0x4a: {  	_ =	shalt  }
0x4b: {  	_ =	shalt  }
0x4c: {  	_ =	shalt  }
0x4d: {  	_ =	shalt  }
0x4e: {  	_ =	shalt  }
0x4f: {  	_ =	shalt  }
0x50: {  	_ =	shalt  }
0x51: {  	_ =	shalt  }
0x52: {  	_ =	shalt  }
0x53: {  	_ =	shalt  }
0x54: {  	_ =	shalt  }
0x55: {  	_ =	shalt  }
0x56: {  	_ =	shalt  }
0x57: {  	_ =	shalt  }
0x58: {  	_ =	shalt  }
0x59: {  	_ =	shalt  }
0x5a: {  	_ =	shalt  }
0x5b: {  	_ =	shalt  }
0x5c: {  	_ =	shalt  }
0x5d: {  	_ =	shalt  }
0x5e: {  	_ =	shalt  }
0x5f: {  	_ =	shalt  }
0x60: {  	_ =	shalt  }
0x61: {  	_ =	shalt  }
0x62: {  	_ =	shalt  }
0x63: {  	_ =	shalt  }
0x64: {  	_ =	shalt  }
0x65: {  	_ =	shalt  }
0x66: {  	_ =	shalt  }
0x67: {  	_ =	shalt  }
0x68: {  	_ =	shalt  }
0x69: {  	_ =	shalt  }
0x6a: {  	_ =	shalt  }
0x6b: {  	_ =	shalt  }
0x6c: {  	_ =	shalt  }
0x6d: {  	_ =	shalt  }
0x6e: {  	_ =	shalt  }
0x6f: {  	_ =	shalt  }
0x70: {  	_ =	shalt  }
0x71: {  	_ =	shalt  }
0x72: {  	_ =	shalt  }
0x73: {  	_ =	shalt  }
0x74: {  	_ =	shalt  }
0x75: {  	_ =	shalt  }
0x76: {  	_ =	shalt  }
0x77: {  	_ =	shalt  }
0x78: {  	_ =	shalt  }
0x79: {  	_ =	shalt  }
0x7a: {  	_ =	shalt  }
0x7b: {  	_ =	shalt  }
0x7c: {  	_ =	shalt  }
0x7d: {  	_ =	shalt  }
0x7e: {  	_ =	shalt  }
0x7f: {  	_ =	shalt  }
0x80: {  	_ =	shalt  }
0x81: {  	_ =	shalt  }
0x82: {  	_ =	shalt  }
0x83: {  	_ =	shalt  }
0x84: {  	_ =	shalt  }
0x85: {  	_ =	shalt  }
0x86: {  	_ =	shalt  }
0x87: {  	_ =	shalt  }
.Lfunc_end0:
.L_simem_size_0:
called_computation.2_lowered:
.L_overlay_start_0:
0x88: {  	s2 =	sld [smem:$0x3FD9]  }
0x89: {  	s3 =	sld [smem:$0x3FFE];
	_ =	sdelay $0x1  }
0x8a: {  	s1 =	srdreg.scid  }
0x8b: {  	s0 =	sand.u32 $0x1, s1  }
0x8c: {  	s14 =	sshll.u32 s0, $0xA;
	s2 =	sadd.s32 s3, s2  }
0x8d: {  	s2 =	sadd.s32 s2, s14  }
0x8e: {  	[smem:$0x3FC7] =	sst s2  }
0x8f: {  	_ = 	snop  }
0x90: {  	s2 =	sld [smem:$0x3FD0];
	_ =	sdelay $0x2  }
0x91: {  	s15 =	simm.s32 $0xB;
	s4 =	simm.s32 $0x10  }
0x92: {  	[smem:s4], [sflag:s15] =	dma.local [hbm:s2], $0x1  }
0x93: {  	_ =	swait.eq [sflag:s15], $0x1  }
0x94: {  	[sflag:s15] =	ssyncset.done $0x0  }
0x95: {  	s16 =	sld [smem:$0x10];
	[sflag:s15] =	ssyncadd.s32 $0xFFFFFFFF  }
0x96: {  	s17 =	sld [smem:$0x11];
	(tm) =	ssettm $0x1  }
0x97: {  	s18 =	sld [smem:$0x3FFB];
	_ =	sdelay $0x3  }
0x98: {  	_ =	strace s18  }
0x99: {  	s4 =	sld [smem:$0x3FFC];
	_ =	sdelay $0x3  }
0x9a: {  	_ =	strace s4  }
0x9b: {  	s4 =	sld [smem:$0x3FFD];
	_ =	sdelay $0x3  }
0x9c: {  	_ =	strace s4  }
0x9d: {  	_ =	strace $0x8FFFFFFF  }
0x9e: {  	s19 =	sld [smem:$0x3FDB];
	_ =	sdelay $0x1  }
0x9f: {  	s5 =	simm.s32 $_scs_section_size  }
0xa0: {  	s6 =	simm.s32 $_size__tile_overlayer_lowered;
	s7 =	simm.s32 $_tile_overlayer_lowered  }
0xa1: {  	s22 =	simm.s32 $0x1BFF;
	s21 =	sshll.u32 s7, $0x1;
	s4 =	sadd.s32 s5, s19  }
0xa2: {  	s8 =	simm.s32 $0x0;
	s20 =	sshll.u32 s6, $0x1;
	s6 =	sadd.s32 s21, s4  }
0xa3: {  	[timem:s8], [sflag:s22] =	dma.local [hbm:s6], s20  }
0xa4: {  	_ =	swait.ge [sflag:s22], s20  }
0xa5: {  	s5 =	ssub.s32 $0x0, s20;
	[sflag:s22] =	ssyncset.done $0x0  }
0xa6: {  	[sflag:s22] =	ssyncadd.s32 s5;
	_ =	sdelay $0x1  }
0xa7: {  	s23 =	simm.s32 $0x1B8B  }
0xa8: {  	_ =	swait.ge [sflag:s23], $0x1  }
0xa9: {  	[sflag:s23] =	ssyncset.done $0x0  }
0xaa: {  	s25 =	simm.s32 $0x1B8E;
	s24 =	sld [smem:$0x3FFE];
	[sflag:s23] =	ssyncadd.s32 $0xFFFFFFFF  }
0xab: {  	s26 =	simm.s32 $execute0_lowered;
	[smem:$0x3FD2] =	sst s25  }
0xac: {  	s6 =	sshll.u32 s26, $0x1;
	_ =	strace $0x80000046;
	[dreg:$0x1] =	wrdreg $0xFFFFFFFF  }
0xad: {  	s28 =	simm.s32 $_size_execute0_lowered;
	s4 =	sadd.s32 s4, s6;
	[dreg:$0x0] =	wrdreg $0x0  }
0xae: {  	s6 =	sshll.u32 s28, $0x1;
	[dreg:$0x2] =	wrdreg s4  }
0xaf: {  	[dreg:$0x3] =	wrdreg s6  }
0xb0: {  	[dreg:$0x4] =	wrdreg $0xC0  }
0xb1: {  	_ =	task [dreg:s8], $0x5FFFF  }
0xb2: {  	[dreg:$0x1] =	wrdreg $0xFFFFFFFF  }
0xb3: {  	[dreg:$0x0] =	wrdreg $0x60  }
0xb4: {  	[dreg:$0x2] =	wrdreg s24  }
0xb5: {  	[dreg:$0x3] =	wrdreg s16  }
0xb6: {  	[dreg:$0x4] =	wrdreg s17  }
0xb7: {  	[dreg:$0x5] =	wrdreg $0x9  }
0xb8: {  	_ =	task.clear_ibuf [dreg:s8], $0x6FFFF;
	_ =	strace $0x90000046  }
0xb9: {  	s29 =	simm.s32 $0x9;
	_ =	strace $0x80000048  }
0xba: {  	_ =	swait.ge [sflag:s29], $0x1  }
0xbb: {  	[sflag:s29] =	ssyncadd.s32 $0xFFFFFFFF  }
0xbc: {  	_ =	strace $0x90000048  }
0xbd: {  	_ =	sfence  }
0xbe: {  	s30 =	sld [smem:$0x0];
	_ =	sdelay $0x2  }
0xbf: {  	s31 =	sshll.u32 s1, $0xD;
	s1 =	sshrl.u32 s1, $0x2  }
0xc0: {  	s3 =	sand.u32 $0x4000, s31;
	s1 =	sadd.s32 s1, s30  }
0xc1: {  	s0 =	sor.u32 s3, s0;
	s1 =	sshll.u32 s1, $0x11  }
0xc2: {  	s0 =	sor.u32 s1, s0  }
0xc3: {  	s0 =	sadd.s32 $0x8F2B, s0  }
0xc4: {  	[sflag:s0] =	ssyncadd.remote.s32 $0x1  }
0xc5: {  	_ =	sfence.sel $0xFFFF  }
0xc6: {  	[dreg:$0x0] =	wrdreg $0xFFFFFFFF;
	(pc) =	sbr.abs _section_cstart, $3  }
0xc7: {  	[dreg:$0x1] =	wrdreg $0xFFFFFFFF  }
0xc8: {  	_ =	task.clear_ibuf [dreg:s8], $0x2FFFF;
	_ =	strace $0x9FFFFFFF  }
0xc9: {  	(tm) =	ssettm $0x7FFFFFFF  }
tec
execute0_lowered:
.L_overlay_start_1:
0x0: {  	(tag) =	ssettag $0x1  }
0x1: {  	s0 =	srdreg.scid;
	s2 =	stileid.u32  }
0x2: {  	s1 =	sand.u32 $0x1, s0;
	s22 =	sshll.u32 s2, $0x1  }
0x3: {  	s0 =	sor.u32 s1, s22  }
0x4: {  	s3 =	rddreg [dreg:$0x0];
	s4 =	smul.u32 $0x93000, s0  }
0x5: {  	s16 =	rddreg [dreg:$0x1];
	s0 =	smul.u32 $0x49800, s0  }
0x6: {  	s31 =	rddreg [dreg:$0x2]  }
0x7: {  	s2 =	simm.s32 $0x0;
	s4 =	sshrl.u32 s4, $0x3;
	s18 =	sshrl.u32 s0, $0x3  }
0x8: {  	[smem:$0x7FF] =	sst s2;
	s28 =	sadd.s32 s4, s3;
	s0 =	sadd.s32 s16, s18  }
0x9: {  	_ =	strace $0x80000047;
	s3 =	sadd.s32 $0x541000, s28;
	[dreg:$0x7] =	wrdreg s0  }
0xa: {  	s23 =	sadd.s32 $0x542260, s28;
	[dreg:$0x4] =	wrdreg s3  }
0xb: {  	s24 =	sadd.s32 $0x5434C0, s28;
	[dreg:$0x5] =	wrdreg s23  }
0xc: {  	s20 =	sadd.s32 $0x1260, s18;
	s25 =	sadd.s32 $0x544720, s28;
	[dreg:$0x6] =	wrdreg s24  }
0xd: {  	s22 =	sadd.s32 $0x24C0, s18;
	s26 =	sadd.s32 s16, s20;
	[dreg:$0x8] =	wrdreg s25  }
0xe: {  	s4 =	sadd.s32 s16, s22;
	[dreg:$0x9] =	wrdreg s26  }
0xf: {  	s5 =	sadd.s32 $0x546BE0, s28;
	[dreg:$0xb] =	wrdreg s4  }
0x10: {  	s7 =	sadd.s32 $0x547E40, s28;
	[dreg:$0xc] =	wrdreg s5  }
0x11: {  	s3 =	sadd.s32 $0x545980, s28;
	[dreg:$0xe] =	wrdreg s7  }
0x12: {  	[dreg:$0xa] =	wrdreg s3  }
0x13: {  	s24 =	sadd.s32 $0x3720, s18;
	s8 =	rddreg [dreg:$0x4]  }
0x14: {  	s6 =	sadd.s32 s16, s24;
	s9 =	rddreg [dreg:$0x5]  }
0x15: {  	s26 =	sadd.s32 $0x4980, s18;
	[dreg:$0xd] =	wrdreg s6  }
0x16: {  	[tilespmem:s2], [sflag:$0x1] =	stream.linear.gather [hbm4b:s8+s2], $0x9300, $0x38;
	[tilespmem:$0x1B900] =	vst v63  }
0x17: {  	s10 =	sadd.s32 s16, s26;
	s3 =	simm.s32 $0x9300;
	s6 =	rddreg [dreg:$0x6]  }
0x18: {  	[tilespmem:s3], [sflag:$0x2] =	stream.linear.gather [hbm4b:s9+s2], $0x9300, $0x38;
	[tilespmem:$0x1B900] =	vst v63  }
0x19: {  	s4 =	simm.s32 $0x12600;
	s5 =	simm.s32 $0x1;
	[dreg:$0xf] =	wrdreg s10  }
0x1a: {  	[tilespmem:s4], [sflag:$0x3] =	stream.linear.gather [hbm4b:s6+s2], $0x9300, $0x38;
	[tilespmem:$0x1B900] =	vst v63  }
0x1b: {  	_ =	swait.ge [sflag:s5], $0x9300  }
0x1c: {  	[sflag:s5] =	ssyncset.done $0x0  }
0x1d: {  	s6 =	simm.s32 $0x4;
	s11 =	rddreg [dreg:$0x7];
	[sflag:s5] =	ssyncadd.s32 $0xFFFF6D00  }
0x1e: {  	[hbm4b:s11+s2] =	stream.linear.scatter [tilespmem:s2], [sflag:$0x4], $0x9300, $0x38;
	[tilespmem:$0x1B900] =	vst v63  }
0x1f: {  	_ =	swait.ge [sflag:s6], $0x9300  }
0x20: {  	[sflag:s6] =	ssyncset.done $0x0  }
0x21: {  	s7 =	simm.s32 $0x2;
	s12 =	rddreg [dreg:$0x8];
	[sflag:s6] =	ssyncadd.s32 $0xFFFF6D00  }
0x22: {  	[tilespmem:s2], [sflag:$0x1] =	stream.linear.gather [hbm4b:s12+s2], $0x9300, $0x38;
	[tilespmem:$0x1B900] =	vst v63  }
0x23: {  	_ =	swait.ge [sflag:s7], $0x9300  }
0x24: {  	[sflag:s7] =	ssyncset.done $0x0  }
0x25: {  	s8 =	simm.s32 $0x5;
	s13 =	rddreg [dreg:$0x9];
	[sflag:s7] =	ssyncadd.s32 $0xFFFF6D00  }
0x26: {  	[hbm4b:s13+s2] =	stream.linear.scatter [tilespmem:s3], [sflag:$0x5], $0x9300, $0x38;
	[tilespmem:$0x1B900] =	vst v63  }
0x27: {  	_ =	swait.ge [sflag:s8], $0x9300  }
0x28: {  	[sflag:s8] =	ssyncset.done $0x0  }
0x29: {  	s9 =	simm.s32 $0x3;
	s14 =	rddreg [dreg:$0xa];
	[sflag:s8] =	ssyncadd.s32 $0xFFFF6D00  }
0x2a: {  	[tilespmem:s3], [sflag:$0x2] =	stream.linear.gather [hbm4b:s14+s2], $0x9300, $0x38;
	[tilespmem:$0x1B900] =	vst v63  }
0x2b: {  	_ =	swait.ge [sflag:s9], $0x9300  }
0x2c: {  	[sflag:s9] =	ssyncset.done $0x0  }
0x2d: {  	s10 =	simm.s32 $0x6;
	s15 =	rddreg [dreg:$0xb];
	[sflag:s9] =	ssyncadd.s32 $0xFFFF6D00  }
0x2e: {  	[hbm4b:s15+s2] =	stream.linear.scatter [tilespmem:s4], [sflag:$0x6], $0x9300, $0x38;
	[tilespmem:$0x1B900] =	vst v63  }
0x2f: {  	_ =	swait.ge [sflag:s10], $0x9300  }
0x30: {  	[sflag:s10] =	ssyncset.done $0x0  }
0x31: {  	s17 =	rddreg [dreg:$0xc];
	[sflag:s10] =	ssyncadd.s32 $0xFFFF6D00  }
0x32: {  	[tilespmem:s4], [sflag:$0x3] =	stream.linear.gather [hbm4b:s17+s2], $0x9300, $0x38;
	[tilespmem:$0x1B900] =	vst v63  }
0x33: {  	_ =	swait.ge [sflag:s5], $0x9300  }
0x34: {  	[sflag:s5] =	ssyncset.done $0x0  }
0x35: {  	s19 =	rddreg [dreg:$0xd];
	[sflag:s5] =	ssyncadd.s32 $0xFFFF6D00  }
0x36: {  	[hbm4b:s19+s2] =	stream.linear.scatter [tilespmem:s2], [sflag:$0x4], $0x9300, $0x38;
	[tilespmem:$0x1B900] =	vst v63  }
0x37: {  	_ =	swait.ge [sflag:s6], $0x9300  }
0x38: {  	[sflag:s6] =	ssyncset.done $0x0  }
0x39: {  	s21 =	rddreg [dreg:$0xe];
	[sflag:s6] =	ssyncadd.s32 $0xFFFF6D00  }
0x3a: {  	[tilespmem:s2], [sflag:$0x1] =	stream.linear.gather [hbm4b:s21+s2], $0x9300, $0x38;
	[tilespmem:$0x1B900] =	vst v63  }
0x3b: {  	_ =	swait.ge [sflag:s7], $0x9300  }
0x3c: {  	[sflag:s7] =	ssyncset.done $0x0  }
0x3d: {  	s23 =	rddreg [dreg:$0xf];
	[sflag:s7] =	ssyncadd.s32 $0xFFFF6D00  }
0x3e: {  	[hbm4b:s23+s2] =	stream.linear.scatter [tilespmem:s3], [sflag:$0x5], $0x9300, $0x38;
	[tilespmem:$0x1B900] =	vst v63  }
0x3f: {  	_ =	swait.ge [sflag:s8], $0x9300  }
0x40: {  	s25 =	sadd.s32 $0x5490A0, s28;
	[sflag:s8] =	ssyncset.done $0x0  }
0x41: {  	[dreg:$0x10] =	wrdreg s25;
	[sflag:s8] =	ssyncadd.s32 $0xFFFF6D00  }
0x42: {  	[tilespmem:s3], [sflag:$0x2] =	stream.linear.gather [hbm4b:s25+s2], $0x9300, $0x38;
	[tilespmem:$0x1B900] =	vst v63  }
0x43: {  	_ =	swait.ge [sflag:s9], $0x9300  }
0x44: {  	s29 =	sadd.s32 $0x5BE0, s18;
	[sflag:s9] =	ssyncset.done $0x0  }
0x45: {  	s12 =	sadd.s32 s16, s29;
	[sflag:s9] =	ssyncadd.s32 $0xFFFF6D00  }
0x46: {  	[hbm4b:s12+s2] =	stream.linear.scatter [tilespmem:s4], [sflag:$0x6], $0x9300, $0x38;
	[tilespmem:$0x1B900] =	vst v63  }
0x47: {  	_ =	swait.ge [sflag:s10], $0x9300  }
0x48: {  	[sflag:s10] =	ssyncset.done $0x0  }
0x49: {  	s13 =	sadd.s32 $0x54A300, s28;
	[sflag:s10] =	ssyncadd.s32 $0xFFFF6D00  }
0x4a: {  	[tilespmem:s4], [sflag:$0x3] =	stream.linear.gather [hbm4b:s13+s2], $0x9300, $0x38;
	[tilespmem:$0x1B900] =	vst v63  }
0x4b: {  	_ =	swait.ge [sflag:s5], $0x9300  }
0x4c: {  	s30 =	sadd.s32 $0x6E40, s18;
	[sflag:s5] =	ssyncset.done $0x0  }
0x4d: {  	s14 =	sadd.s32 s16, s30;
	[sflag:s5] =	ssyncadd.s32 $0xFFFF6D00  }
0x4e: {  	[hbm4b:s14+s2] =	stream.linear.scatter [tilespmem:s2], [sflag:$0x4], $0x9300, $0x38;
	[tilespmem:$0x1B900] =	vst v63  }
0x4f: {  	_ =	swait.ge [sflag:s6], $0x9300  }
0x50: {  	[sflag:s6] =	ssyncset.done $0x0  }
0x51: {  	s15 =	sadd.s32 $0x54B560, s28;
	[sflag:s6] =	ssyncadd.s32 $0xFFFF6D00  }
0x52: {  	[tilespmem:s2], [sflag:$0x1] =	stream.linear.gather [hbm4b:s15+s2], $0x9300, $0x38;
	[tilespmem:$0x1B900] =	vst v63  }
0x53: {  	_ =	swait.ge [sflag:s7], $0x9300  }
0x54: {  	s11 =	sadd.s32 $0x80A0, s18;
	[sflag:s7] =	ssyncset.done $0x0  }
0x55: {  	s16 =	sadd.s32 s16, s11;
	[sflag:s7] =	ssyncadd.s32 $0xFFFF6D00  }
0x56: {  	[hbm4b:s16+s2] =	stream.linear.scatter [tilespmem:s3], [sflag:$0x5], $0x9300, $0x38;
	[tilespmem:$0x1B900] =	vst v63  }
0x57: {  	_ =	swait.ge [sflag:s8], $0x9300  }
0x58: {  	[sflag:s8] =	ssyncset.done $0x0  }
0x59: {  	s17 =	sadd.s32 $0x54C7C0, s28;
	[sflag:s8] =	ssyncadd.s32 $0xFFFF6D00  }
0x5a: {  	[tilespmem:s3], [sflag:$0x2] =	stream.linear.gather [hbm4b:s17+s2], $0x9300, $0x38;
	[tilespmem:$0x1B900] =	vst v63  }
0x5b: {  	_ =	swait.ge [sflag:s9], $0x9300  }
0x5c: {  	[sflag:s9] =	ssyncset.done $0x0  }
0x5d: {  	s18 =	sadd.s32 s31, s18;
	[sflag:s9] =	ssyncadd.s32 $0xFFFF6D00  }
0x5e: {  	[hbm4b:s18+s2] =	stream.linear.scatter [tilespmem:s4], [sflag:$0x6], $0x9300, $0x38;
	[tilespmem:$0x1B900] =	vst v63  }
0x5f: {  	_ =	swait.ge [sflag:s10], $0x9300  }
0x60: {  	[sflag:s10] =	ssyncset.done $0x0  }
0x61: {  	s19 =	sadd.s32 $0x54DA20, s28;
	[sflag:s10] =	ssyncadd.s32 $0xFFFF6D00  }
0x62: {  	[tilespmem:s4], [sflag:$0x3] =	stream.linear.gather [hbm4b:s19+s2], $0x9300, $0x38;
	[tilespmem:$0x1B900] =	vst v63  }
0x63: {  	_ =	swait.ge [sflag:s5], $0x9300  }
0x64: {  	[sflag:s5] =	ssyncset.done $0x0  }
0x65: {  	s20 =	sadd.s32 s31, s20;
	[sflag:s5] =	ssyncadd.s32 $0xFFFF6D00  }
0x66: {  	[hbm4b:s20+s2] =	stream.linear.scatter [tilespmem:s2], [sflag:$0x4], $0x9300, $0x38;
	[tilespmem:$0x1B900] =	vst v63  }
0x67: {  	_ =	swait.ge [sflag:s6], $0x9300  }
0x68: {  	[sflag:s6] =	ssyncset.done $0x0  }
0x69: {  	s21 =	sadd.s32 $0x54EC80, s28;
	[sflag:s6] =	ssyncadd.s32 $0xFFFF6D00  }
0x6a: {  	[tilespmem:s2], [sflag:$0x1] =	stream.linear.gather [hbm4b:s21+s2], $0x9300, $0x38;
	[tilespmem:$0x1B900] =	vst v63  }
0x6b: {  	_ =	swait.ge [sflag:s7], $0x9300  }
0x6c: {  	[sflag:s7] =	ssyncset.done $0x0  }
0x6d: {  	s22 =	sadd.s32 s31, s22;
	[sflag:s7] =	ssyncadd.s32 $0xFFFF6D00  }
0x6e: {  	[hbm4b:s22+s2] =	stream.linear.scatter [tilespmem:s3], [sflag:$0x5], $0x9300, $0x38;
	[tilespmem:$0x1B900] =	vst v63  }
0x6f: {  	_ =	swait.ge [sflag:s8], $0x9300  }
0x70: {  	[sflag:s8] =	ssyncset.done $0x0  }
0x71: {  	s23 =	sadd.s32 $0x54FEE0, s28;
	[sflag:s8] =	ssyncadd.s32 $0xFFFF6D00  }
0x72: {  	[tilespmem:s3], [sflag:$0x2] =	stream.linear.gather [hbm4b:s23+s2], $0x9300, $0x38;
	[tilespmem:$0x1B900] =	vst v63  }
0x73: {  	_ =	swait.ge [sflag:s9], $0x9300  }
0x74: {  	[sflag:s9] =	ssyncset.done $0x0  }
0x75: {  	s24 =	sadd.s32 s31, s24;
	[sflag:s9] =	ssyncadd.s32 $0xFFFF6D00  }
0x76: {  	[hbm4b:s24+s2] =	stream.linear.scatter [tilespmem:s4], [sflag:$0x6], $0x9300, $0x38;
	[tilespmem:$0x1B900] =	vst v63  }
0x77: {  	_ =	swait.ge [sflag:s10], $0x9300  }
0x78: {  	[sflag:s10] =	ssyncset.done $0x0  }
0x79: {  	s25 =	sadd.s32 $0x551140, s28;
	[sflag:s10] =	ssyncadd.s32 $0xFFFF6D00  }
0x7a: {  	[tilespmem:s4], [sflag:$0x3] =	stream.linear.gather [hbm4b:s25+s2], $0x9300, $0x38;
	[tilespmem:$0x1B900] =	vst v63  }
0x7b: {  	_ =	swait.ge [sflag:s5], $0x9300  }
0x7c: {  	[sflag:s5] =	ssyncset.done $0x0  }
0x7d: {  	s26 =	sadd.s32 s31, s26;
	[sflag:s5] =	ssyncadd.s32 $0xFFFF6D00  }
0x7e: {  	[hbm4b:s26+s2] =	stream.linear.scatter [tilespmem:s2], [sflag:$0x4], $0x9300, $0x38;
	[tilespmem:$0x1B900] =	vst v63  }
0x7f: {  	_ =	swait.ge [sflag:s6], $0x9300  }
0x80: {  	[sflag:s6] =	ssyncset.done $0x0  }
0x81: {  	s28 =	sadd.s32 $0x5523A0, s28;
	[sflag:s6] =	ssyncadd.s32 $0xFFFF6D00  }
0x82: {  	[tilespmem:s2], [sflag:$0x1] =	stream.linear.gather [hbm4b:s28+s2], $0x9300, $0x38;
	[tilespmem:$0x1B900] =	vst v63  }
0x83: {  	_ =	swait.ge [sflag:s7], $0x9300  }
0x84: {  	[sflag:s7] =	ssyncset.done $0x0  }
0x85: {  	s29 =	sadd.s32 s31, s29;
	[sflag:s7] =	ssyncadd.s32 $0xFFFF6D00  }
0x86: {  	[hbm4b:s29+s2] =	stream.linear.scatter [tilespmem:s3], [sflag:$0x5], $0x9300, $0x38;
	[tilespmem:$0x1B900] =	vst v63  }
0x87: {  	_ =	swait.ge [sflag:s9], $0x9300  }
0x88: {  	[sflag:s9] =	ssyncset.done $0x0  }
0x89: {  	s30 =	sadd.s32 s31, s30;
	[sflag:s9] =	ssyncadd.s32 $0xFFFF6D00  }
0x8a: {  	[hbm4b:s30+s2] =	stream.linear.scatter [tilespmem:s4], [sflag:$0x6], $0x9300, $0x38;
	[tilespmem:$0x1B900] =	vst v63  }
0x8b: {  	s31 =	sadd.s32 s31, s11;
	s11 =	ssub.s32 $0x2, s1;
	_ =	swait.ge [sflag:s5], $0x9300  }
0x8c: {  	s1 =	sshrl.u32 s11, $0x1;
	[sflag:s5] =	ssyncset.done $0x0  }
0x8d: {  	s0 =	ssub.s32 s11, s1;
	[sflag:s5] =	ssyncadd.s32 $0xFFFF6D00  }
0x8e: {  	[hbm4b:s31+s2] =	stream.linear.scatter [tilespmem:s2], [sflag:$0x4], $0x9300, $0x38;
	[tilespmem:$0x1B900] =	vst v63  }
0x8f: {  	s0 =	smax.u32 s0, $0x1;
	_ =	swait.ge [sflag:s8], $0x9300  }
0x90: {  	p0 =	sne.s32 s0, $0x1;
	[sflag:s8] =	ssyncset.done $0x0  }
.Ltmp0:
0x91: {  	[sflag:s8] =	ssyncadd.s32 $0xFFFF6D00;
	(pc) =	sbr.rel @!p0 .LBB2_2-.Ltmp0, $4  }
0x92: {  	_ =	swait.ge [sflag:s10], $0x9300  }
0x93: {  	[sflag:s10] =	ssyncset.done $0x0  }
0x94: {  	[sflag:s10] =	ssyncadd.s32 $0xFFFF6D00  }
0x95: {  	s1 =	sadd.s32 $0xFFFFFFFF, s0;
	_ =	swait.ge [sflag:s6], $0x9300  }
.LBB2_1:
0x96: {  	[sflag:s6] =	ssyncset.done $0x0  }
0x97: {  	s0 =	rddreg [dreg:$0x4];
	[sflag:s6] =	ssyncadd.s32 $0xFFFF6D00  }
0x98: {  	[tilespmem:s2], [sflag:$0x1] =	stream.linear.gather [hbm4b:s0+s2], $0x9300, $0x38;
	[tilespmem:$0x1B900] =	vst v63  }
0x99: {  	s11 =	rddreg [dreg:$0x5]  }
0x9a: {  	[tilespmem:s3], [sflag:$0x2] =	stream.linear.gather [hbm4b:s11+s2], $0x9300, $0x38;
	[tilespmem:$0x1B900] =	vst v63  }
0x9b: {  	s0 =	rddreg [dreg:$0x6]  }
0x9c: {  	[tilespmem:s4], [sflag:$0x3] =	stream.linear.gather [hbm4b:s0+s2], $0x9300, $0x38;
	[tilespmem:$0x1B900] =	vst v63  }
0x9d: {  	_ =	swait.ge [sflag:s5], $0x9300  }
0x9e: {  	[sflag:s5] =	ssyncset.done $0x0  }
0x9f: {  	s11 =	rddreg [dreg:$0x7];
	[sflag:s5] =	ssyncadd.s32 $0xFFFF6D00  }
0xa0: {  	[hbm4b:s11+s2] =	stream.linear.scatter [tilespmem:s2], [sflag:$0x4], $0x9300, $0x38;
	[tilespmem:$0x1B900] =	vst v63  }
0xa1: {  	_ =	swait.ge [sflag:s6], $0x9300  }
0xa2: {  	[sflag:s6] =	ssyncset.done $0x0  }
0xa3: {  	s11 =	rddreg [dreg:$0x8];
	[sflag:s6] =	ssyncadd.s32 $0xFFFF6D00  }
0xa4: {  	[tilespmem:s2], [sflag:$0x1] =	stream.linear.gather [hbm4b:s11+s2], $0x9300, $0x38;
	[tilespmem:$0x1B900] =	vst v63  }
0xa5: {  	_ =	swait.ge [sflag:s7], $0x9300  }
0xa6: {  	[sflag:s7] =	ssyncset.done $0x0  }
0xa7: {  	s11 =	rddreg [dreg:$0x9];
	[sflag:s7] =	ssyncadd.s32 $0xFFFF6D00  }
0xa8: {  	[hbm4b:s11+s2] =	stream.linear.scatter [tilespmem:s3], [sflag:$0x5], $0x9300, $0x38;
	[tilespmem:$0x1B900] =	vst v63  }
0xa9: {  	_ =	swait.ge [sflag:s8], $0x9300  }
0xaa: {  	[sflag:s8] =	ssyncset.done $0x0  }
0xab: {  	s11 =	rddreg [dreg:$0xa];
	[sflag:s8] =	ssyncadd.s32 $0xFFFF6D00  }
0xac: {  	[tilespmem:s3], [sflag:$0x2] =	stream.linear.gather [hbm4b:s11+s2], $0x9300, $0x38;
	[tilespmem:$0x1B900] =	vst v63  }
0xad: {  	_ =	swait.ge [sflag:s9], $0x9300  }
0xae: {  	[sflag:s9] =	ssyncset.done $0x0  }
0xaf: {  	s11 =	rddreg [dreg:$0xb];
	[sflag:s9] =	ssyncadd.s32 $0xFFFF6D00  }
0xb0: {  	[hbm4b:s11+s2] =	stream.linear.scatter [tilespmem:s4], [sflag:$0x6], $0x9300, $0x38;
	[tilespmem:$0x1B900] =	vst v63  }
0xb1: {  	_ =	swait.ge [sflag:s10], $0x9300  }
0xb2: {  	[sflag:s10] =	ssyncset.done $0x0  }
0xb3: {  	s11 =	rddreg [dreg:$0xc];
	[sflag:s10] =	ssyncadd.s32 $0xFFFF6D00  }
0xb4: {  	[tilespmem:s4], [sflag:$0x3] =	stream.linear.gather [hbm4b:s11+s2], $0x9300, $0x38;
	[tilespmem:$0x1B900] =	vst v63  }
0xb5: {  	_ =	swait.ge [sflag:s5], $0x9300  }
0xb6: {  	[sflag:s5] =	ssyncset.done $0x0  }
0xb7: {  	s11 =	rddreg [dreg:$0xd];
	[sflag:s5] =	ssyncadd.s32 $0xFFFF6D00  }
0xb8: {  	[hbm4b:s11+s2] =	stream.linear.scatter [tilespmem:s2], [sflag:$0x4], $0x9300, $0x38;
	[tilespmem:$0x1B900] =	vst v63  }
0xb9: {  	_ =	swait.ge [sflag:s6], $0x9300  }
0xba: {  	[sflag:s6] =	ssyncset.done $0x0  }
0xbb: {  	s11 =	rddreg [dreg:$0xe];
	[sflag:s6] =	ssyncadd.s32 $0xFFFF6D00  }
0xbc: {  	[tilespmem:s2], [sflag:$0x1] =	stream.linear.gather [hbm4b:s11+s2], $0x9300, $0x38;
	[tilespmem:$0x1B900] =	vst v63  }
0xbd: {  	_ =	swait.ge [sflag:s7], $0x9300  }
0xbe: {  	[sflag:s7] =	ssyncset.done $0x0  }
0xbf: {  	s11 =	rddreg [dreg:$0xf];
	[sflag:s7] =	ssyncadd.s32 $0xFFFF6D00  }
0xc0: {  	[hbm4b:s11+s2] =	stream.linear.scatter [tilespmem:s3], [sflag:$0x5], $0x9300, $0x38;
	[tilespmem:$0x1B900] =	vst v63  }
0xc1: {  	_ =	swait.ge [sflag:s8], $0x9300  }
0xc2: {  	[sflag:s8] =	ssyncset.done $0x0  }
0xc3: {  	s11 =	rddreg [dreg:$0x10];
	[sflag:s8] =	ssyncadd.s32 $0xFFFF6D00  }
0xc4: {  	[tilespmem:s3], [sflag:$0x2] =	stream.linear.gather [hbm4b:s11+s2], $0x9300, $0x38;
	[tilespmem:$0x1B900] =	vst v63  }
0xc5: {  	_ =	swait.ge [sflag:s9], $0x9300  }
0xc6: {  	[sflag:s9] =	ssyncset.done $0x0  }
0xc7: {  	[sflag:s9] =	ssyncadd.s32 $0xFFFF6D00  }
0xc8: {  	[hbm4b:s12+s2] =	stream.linear.scatter [tilespmem:s4], [sflag:$0x6], $0x9300, $0x38;
	[tilespmem:$0x1B900] =	vst v63  }
0xc9: {  	_ =	swait.ge [sflag:s10], $0x9300  }
0xca: {  	[sflag:s10] =	ssyncset.done $0x0  }
0xcb: {  	[sflag:s10] =	ssyncadd.s32 $0xFFFF6D00  }
0xcc: {  	[tilespmem:s4], [sflag:$0x3] =	stream.linear.gather [hbm4b:s13+s2], $0x9300, $0x38;
	[tilespmem:$0x1B900] =	vst v63  }
0xcd: {  	_ =	swait.ge [sflag:s5], $0x9300  }
0xce: {  	[sflag:s5] =	ssyncset.done $0x0  }
0xcf: {  	[sflag:s5] =	ssyncadd.s32 $0xFFFF6D00  }
0xd0: {  	[hbm4b:s14+s2] =	stream.linear.scatter [tilespmem:s2], [sflag:$0x4], $0x9300, $0x38;
	[tilespmem:$0x1B900] =	vst v63  }
0xd1: {  	_ =	swait.ge [sflag:s6], $0x9300  }
0xd2: {  	[sflag:s6] =	ssyncset.done $0x0  }
0xd3: {  	[sflag:s6] =	ssyncadd.s32 $0xFFFF6D00  }
0xd4: {  	[tilespmem:s2], [sflag:$0x1] =	stream.linear.gather [hbm4b:s15+s2], $0x9300, $0x38;
	[tilespmem:$0x1B900] =	vst v63  }
0xd5: {  	_ =	swait.ge [sflag:s7], $0x9300  }
0xd6: {  	[sflag:s7] =	ssyncset.done $0x0  }
0xd7: {  	[sflag:s7] =	ssyncadd.s32 $0xFFFF6D00  }
0xd8: {  	[hbm4b:s16+s2] =	stream.linear.scatter [tilespmem:s3], [sflag:$0x5], $0x9300, $0x38;
	[tilespmem:$0x1B900] =	vst v63  }
0xd9: {  	_ =	swait.ge [sflag:s8], $0x9300  }
0xda: {  	[sflag:s8] =	ssyncset.done $0x0  }
0xdb: {  	[sflag:s8] =	ssyncadd.s32 $0xFFFF6D00  }
0xdc: {  	[tilespmem:s3], [sflag:$0x2] =	stream.linear.gather [hbm4b:s17+s2], $0x9300, $0x38;
	[tilespmem:$0x1B900] =	vst v63  }
0xdd: {  	_ =	swait.ge [sflag:s9], $0x9300  }
0xde: {  	[sflag:s9] =	ssyncset.done $0x0  }
0xdf: {  	[sflag:s9] =	ssyncadd.s32 $0xFFFF6D00  }
0xe0: {  	[hbm4b:s18+s2] =	stream.linear.scatter [tilespmem:s4], [sflag:$0x6], $0x9300, $0x38;
	[tilespmem:$0x1B900] =	vst v63  }
0xe1: {  	_ =	swait.ge [sflag:s10], $0x9300  }
0xe2: {  	[sflag:s10] =	ssyncset.done $0x0  }
0xe3: {  	[sflag:s10] =	ssyncadd.s32 $0xFFFF6D00  }
0xe4: {  	[tilespmem:s4], [sflag:$0x3] =	stream.linear.gather [hbm4b:s19+s2], $0x9300, $0x38;
	[tilespmem:$0x1B900] =	vst v63  }
0xe5: {  	_ =	swait.ge [sflag:s5], $0x9300  }
0xe6: {  	[sflag:s5] =	ssyncset.done $0x0  }
0xe7: {  	[sflag:s5] =	ssyncadd.s32 $0xFFFF6D00  }
0xe8: {  	[hbm4b:s20+s2] =	stream.linear.scatter [tilespmem:s2], [sflag:$0x4], $0x9300, $0x38;
	[tilespmem:$0x1B900] =	vst v63  }
0xe9: {  	_ =	swait.ge [sflag:s6], $0x9300  }
0xea: {  	[sflag:s6] =	ssyncset.done $0x0  }
0xeb: {  	[sflag:s6] =	ssyncadd.s32 $0xFFFF6D00  }
0xec: {  	[tilespmem:s2], [sflag:$0x1] =	stream.linear.gather [hbm4b:s21+s2], $0x9300, $0x38;
	[tilespmem:$0x1B900] =	vst v63  }
0xed: {  	_ =	swait.ge [sflag:s7], $0x9300  }
0xee: {  	[sflag:s7] =	ssyncset.done $0x0  }
0xef: {  	[sflag:s7] =	ssyncadd.s32 $0xFFFF6D00  }
0xf0: {  	[hbm4b:s22+s2] =	stream.linear.scatter [tilespmem:s3], [sflag:$0x5], $0x9300, $0x38;
	[tilespmem:$0x1B900] =	vst v63  }
0xf1: {  	_ =	swait.ge [sflag:s8], $0x9300  }
0xf2: {  	[sflag:s8] =	ssyncset.done $0x0  }
0xf3: {  	[sflag:s8] =	ssyncadd.s32 $0xFFFF6D00  }
0xf4: {  	[tilespmem:s3], [sflag:$0x2] =	stream.linear.gather [hbm4b:s23+s2], $0x9300, $0x38;
	[tilespmem:$0x1B900] =	vst v63  }
0xf5: {  	_ =	swait.ge [sflag:s9], $0x9300  }
0xf6: {  	[sflag:s9] =	ssyncset.done $0x0  }
0xf7: {  	[sflag:s9] =	ssyncadd.s32 $0xFFFF6D00  }
0xf8: {  	[hbm4b:s24+s2] =	stream.linear.scatter [tilespmem:s4], [sflag:$0x6], $0x9300, $0x38;
	[tilespmem:$0x1B900] =	vst v63  }
0xf9: {  	_ =	swait.ge [sflag:s10], $0x9300  }
0xfa: {  	[sflag:s10] =	ssyncset.done $0x0  }
0xfb: {  	[sflag:s10] =	ssyncadd.s32 $0xFFFF6D00  }
0xfc: {  	[tilespmem:s4], [sflag:$0x3] =	stream.linear.gather [hbm4b:s25+s2], $0x9300, $0x38;
	[tilespmem:$0x1B900] =	vst v63  }
0xfd: {  	_ =	swait.ge [sflag:s5], $0x9300  }
0xfe: {  	[sflag:s5] =	ssyncset.done $0x0  }
0xff: {  	[sflag:s5] =	ssyncadd.s32 $0xFFFF6D00  }
0x100: {  	[hbm4b:s26+s2] =	stream.linear.scatter [tilespmem:s2], [sflag:$0x4], $0x9300, $0x38;
	[tilespmem:$0x1B900] =	vst v63  }
0x101: {  	_ =	swait.ge [sflag:s6], $0x9300  }
0x102: {  	[sflag:s6] =	ssyncset.done $0x0  }
0x103: {  	[sflag:s6] =	ssyncadd.s32 $0xFFFF6D00  }
0x104: {  	[tilespmem:s2], [sflag:$0x1] =	stream.linear.gather [hbm4b:s28+s2], $0x9300, $0x38;
	[tilespmem:$0x1B900] =	vst v63  }
0x105: {  	_ =	swait.ge [sflag:s7], $0x9300  }
0x106: {  	[sflag:s7] =	ssyncset.done $0x0  }
0x107: {  	[sflag:s7] =	ssyncadd.s32 $0xFFFF6D00  }
0x108: {  	[hbm4b:s29+s2] =	stream.linear.scatter [tilespmem:s3], [sflag:$0x5], $0x9300, $0x38;
	[tilespmem:$0x1B900] =	vst v63  }
0x109: {  	_ =	swait.ge [sflag:s9], $0x9300  }
0x10a: {  	[sflag:s9] =	ssyncset.done $0x0  }
0x10b: {  	[sflag:s9] =	ssyncadd.s32 $0xFFFF6D00  }
0x10c: {  	[hbm4b:s30+s2] =	stream.linear.scatter [tilespmem:s4], [sflag:$0x6], $0x9300, $0x38;
	[tilespmem:$0x1B900] =	vst v63  }
0x10d: {  	_ =	swait.ge [sflag:s5], $0x9300  }
0x10e: {  	[sflag:s5] =	ssyncset.done $0x0  }
0x10f: {  	[sflag:s5] =	ssyncadd.s32 $0xFFFF6D00  }
0x110: {  	[hbm4b:s31+s2] =	stream.linear.scatter [tilespmem:s2], [sflag:$0x4], $0x9300, $0x38;
	[tilespmem:$0x1B900] =	vst v63  }
0x111: {  	_ =	swait.ge [sflag:s8], $0x9300  }
0x112: {  	p0 =	sne.s32 s1, $0x1;
	[sflag:s8] =	ssyncset.done $0x0  }
.Ltmp1:
0x113: {  	[sflag:s8] =	ssyncadd.s32 $0xFFFF6D00;
	(pc) =	sbr.rel @p0 .LBB2_1-.Ltmp1, $4  }
0x114: {  	_ =	swait.ge [sflag:s10], $0x9300  }
0x115: {  	[sflag:s10] =	ssyncset.done $0x0  }
0x116: {  	[sflag:s10] =	ssyncadd.s32 $0xFFFF6D00  }
0x117: {  	s1 =	sadd.s32 $0xFFFFFFFF, s1;
	_ =	swait.ge [sflag:s6], $0x9300  }
.LBB2_2:
0x118: {  	[sflag:s6] =	ssyncset.done $0x0  }
0x119: {  	[sflag:s6] =	ssyncadd.s32 $0xFFFF6D00  }
0x11a: {  	_ =	sfence.sel $0x180000  }
0x11b: {  	[bflag:$0x0] =	sbarrier.arrive $0xFFFF  }
0x11c: {  	_ =	strace $0x90000047  }
0x11d: {  	s0 =	stileid.u32;
	[bflag:$0x2] =	sbarrier.arrive $0xFFFF  }
0x11e: {  	p0 =	sne.s32 s0, $0x0;
	s0 =	rddreg [dreg:$0x3]  }
0x11f: {  	s0 =	sadd.s32 @!p0 $0x100000, s0  }
0x120: {  	[sflag:s0] =	ssyncadd.tile.s32 @!p0 $0x1;
	_ =	shalt  }
.Lfunc_end2:
_tile_overlayer_lowered:
.L_overlay_start_2:
0x121: {  	(tag) =	ssettag $0x2  }
0x122: {  	s0 =	rddreg [dreg:$0x0];
	s2 =	stileid.u32  }
0x123: {  	s1 =	rddreg [dreg:$0x1];
	p0 =	sne.s32 s2, $0x0  }
0x124: {  	s3 =	rddreg [dreg:$0x2];
	[bflag:$0x3] =	sbarrier.arrive $0xFFFF;
	s2 =	simm.s32 @!p0 $0x1C07  }
0x125: {  	[timem:s3], [sflag:s2] =	dma.local @!p0 [hbm:s0], s1  }
0x126: {  	s0 =	simm.s32 @!p0 $0x7  }
0x127: {  	_ =	swait.ge @!p0 [sflag:s0], s1  }
0x128: {  	s1 =	ssub.s32 @!p0 $0x0, s1;
	[sflag:s0] =	ssyncset.done @!p0 $0x0  }
0x129: {  	[sflag:s0] =	ssyncadd.s32 @!p0 s1  }
0x12a: {  	[bflag:$0x3] =	sbarrier.arrive $0xFFFF  }
0x12b: {  	_ =	shalt  }

// kernel: sparse-core-data-format-call.1.cloned.1.call-start
scs
called_computation.1_lowered:
.L_overlay_start_0:
0x0: {  	s2 =	sld [smem:$0x3FD9]  }
0x1: {  	s3 =	sld [smem:$0x3FFE];
	_ =	sdelay $0x1  }
0x2: {  	s1 =	srdreg.scid  }
0x3: {  	s0 =	sand.u32 $0x1, s1  }
0x4: {  	s15 =	sshll.u32 s0, $0xA;
	s2 =	sadd.s32 s3, s2  }
0x5: {  	s2 =	sadd.s32 s2, s15  }
0x6: {  	[smem:$0x3FC7] =	sst s2  }
0x7: {  	_ = 	snop  }
0x8: {  	s2 =	sld [smem:$0x3FD0];
	_ =	sdelay $0x2  }
0x9: {  	s16 =	simm.s32 $0xB;
	s4 =	simm.s32 $0x10  }
0xa: {  	[smem:s4], [sflag:s16] =	dma.local [hbm:s2], $0x1  }
0xb: {  	_ =	swait.eq [sflag:s16], $0x1  }
0xc: {  	[sflag:s16] =	ssyncset.done $0x0  }
0xd: {  	[sflag:s16] =	ssyncadd.s32 $0xFFFFFFFF  }
0xe: {  	s17 =	sld [smem:$0x10];
	(tm) =	ssettm $0x1  }
0xf: {  	s18 =	sld [smem:$0x3FFB];
	_ =	sdelay $0x3  }
0x10: {  	_ =	strace s18  }
0x11: {  	s3 =	sld [smem:$0x3FFC];
	_ =	sdelay $0x3  }
0x12: {  	_ =	strace s3  }
0x13: {  	s3 =	sld [smem:$0x3FFD];
	_ =	sdelay $0x3  }
0x14: {  	_ =	strace s3  }
0x15: {  	_ =	strace $0x8FFFFFFF  }
0x16: {  	s19 =	sld [smem:$0x3FDB];
	_ =	sdelay $0x1  }
0x17: {  	s20 =	simm.s32 $_scs_section_size  }
0x18: {  	s5 =	simm.s32 $_size__tile_overlayer_lowered;
	s6 =	simm.s32 $_tile_overlayer_lowered  }
0x19: {  	s23 =	simm.s32 $0x1BFF;
	s22 =	sshll.u32 s6, $0x1;
	s3 =	sadd.s32 s20, s19  }
0x1a: {  	s7 =	simm.s32 $0x0;
	s21 =	sshll.u32 s5, $0x1;
	s5 =	sadd.s32 s22, s3  }
0x1b: {  	[timem:s7], [sflag:s23] =	dma.local [hbm:s5], s21  }
0x1c: {  	_ =	swait.ge [sflag:s23], s21  }
0x1d: {  	s4 =	ssub.s32 $0x0, s21;
	[sflag:s23] =	ssyncset.done $0x0  }
0x1e: {  	[sflag:s23] =	ssyncadd.s32 s4;
	_ =	sdelay $0x1  }
0x1f: {  	s24 =	simm.s32 $0x1B8B  }
0x20: {  	_ =	swait.ge [sflag:s24], $0x1  }
0x21: {  	[sflag:s24] =	ssyncset.done $0x0  }
0x22: {  	s26 =	simm.s32 $0x1B8E;
	s25 =	sld [smem:$0x3FFE];
	[sflag:s24] =	ssyncadd.s32 $0xFFFFFFFF  }
0x23: {  	s27 =	simm.s32 $execute0_lowered;
	[smem:$0x3FD2] =	sst s26  }
0x24: {  	s5 =	sshll.u32 s27, $0x1;
	_ =	strace $0x80000049;
	[dreg:$0x1] =	wrdreg $0xFFFFFFFF  }
0x25: {  	s28 =	simm.s32 $_size_execute0_lowered;
	s3 =	sadd.s32 s3, s5;
	[dreg:$0x0] =	wrdreg $0x0  }
0x26: {  	s5 =	sshll.u32 s28, $0x1;
	[dreg:$0x2] =	wrdreg s3  }
0x27: {  	[dreg:$0x3] =	wrdreg s5  }
0x28: {  	[dreg:$0x4] =	wrdreg $0xC0  }
0x29: {  	_ =	task [dreg:s7], $0x5FFFF  }
0x2a: {  	[dreg:$0x1] =	wrdreg $0xFFFFFFFF  }
0x2b: {  	[dreg:$0x0] =	wrdreg $0x60  }
0x2c: {  	[dreg:$0x2] =	wrdreg s25  }
0x2d: {  	[dreg:$0x3] =	wrdreg s17  }
0x2e: {  	[dreg:$0x4] =	wrdreg $0xA  }
0x2f: {  	_ =	task.clear_ibuf [dreg:s7], $0x5FFFF;
	_ =	strace $0x90000049  }
0x30: {  	s29 =	simm.s32 $0xA;
	_ =	strace $0x8000004B  }
0x31: {  	_ =	swait.ge [sflag:s29], $0x1  }
0x32: {  	[sflag:s29] =	ssyncadd.s32 $0xFFFFFFFF  }
0x33: {  	_ =	strace $0x9000004B  }
0x34: {  	_ =	sfence  }
0x35: {  	s30 =	sld [smem:$0x0];
	_ =	sdelay $0x2  }
0x36: {  	s31 =	sshll.u32 s1, $0xD;
	s1 =	sshrl.u32 s1, $0x2  }
0x37: {  	s3 =	sand.u32 $0x4000, s31;
	s1 =	sadd.s32 s1, s30  }
0x38: {  	s0 =	sor.u32 s3, s0;
	s1 =	sshll.u32 s1, $0x11  }
0x39: {  	s0 =	sor.u32 s1, s0  }
0x3a: {  	s0 =	sadd.s32 $0x8F2B, s0  }
0x3b: {  	[sflag:s0] =	ssyncadd.remote.s32 $0x1  }
0x3c: {  	_ =	sfence.sel $0xFFFF  }
0x3d: {  	[dreg:$0x0] =	wrdreg $0xFFFFFFFF;
	(pc) =	sbr.abs _section_cstart, $3  }
0x3e: {  	[dreg:$0x1] =	wrdreg $0xFFFFFFFF  }
0x3f: {  	_ =	task.clear_ibuf [dreg:s7], $0x2FFFF;
	_ =	strace $0x9FFFFFFF  }
0x40: {  	(tm) =	ssettm $0x7FFFFFFF  }
0x41: {  	_ =	shalt  }
tec
execute0_lowered:
.L_overlay_start_1:
0x0: {  	(tag) =	ssettag $0x1  }
0x1: {  	s0 =	rddreg [dreg:$0x0];
	_ =	strace $0x8000004A  }
0x2: {  	s30 =	srdreg.scid;
	s2 =	stileid.u32;
	s1 =	simm.s32 $0x1  }
0x3: {  	s31 =	simm.s32 $0x2;
	s17 =	simm.s32 $0x0;
	p0 =	por $0x0, $0x0  }
0x4: {  	s16 =	simm.s32 $0x0;
	s15 =	simm.s32 $0x0;
	s6 =	simm.s32 $0x0  }
.Ltmp0:
0x5: {  	s8 =	simm.s32 $0x0;
	s9 =	simm.s32 $0x0;
	(pc) =	sbr.rel .LBB1_1-.Ltmp0, $4  }
0x6: {  	s10 =	simm.s32 $0x0;
	s13 =	sadd.s32 $0x1000, s0;
	s0 =	sshll.u32 s30, $0x4  }
0x7: {  	s11 =	simm.s32 $0x0;
	s7 =	simm.s32 $0x0;
	s0 =	sand.u32 $0x10, s0  }
0x8: {  	[sflag:s1] =	ssyncpa.u1 $0x0;
	[dreg:$0x3] =	wrdreg s13;
	s14 =	sor.u32 s2, s0  }
0x9: {  	[sflag:s31] =	ssyncpa.u1 $0x0;
	s12 =	smov.u32 s14;
	[dreg:$0x4] =	wrdreg s14  }
.LBB1_13:
0xa: {  	p1 =	sgt.s32 s8, $0x0;
	s2 =	rddreg [dreg:$0x8]  }
0xb: {  	s0 =	smov.u32 s8;
	s1 =	sshrl.u32 s8, $0x4;
	s3 =	rddreg [dreg:$0x7]  }
0xc: {  	s26 =	rddreg [dreg:$0x9];
	s27 =	smul.u32 $0xC400, s9;
	s0 =	simm.s32 @!p1 $0x0  }
0xd: {  	s28 =	smul.u32 $0x380, s6;
	s5 =	rddreg [dreg:$0x1];
	s0 =	sadd.s32 s0, s2  }
0xe: {  	s1 =	sand.u32 $0x1FFFFF8, s1;
	p1 =	sgt.s32 s0, $0x7F;
	s0 =	ssub.s32 $0x80, s0  }
0xf: {  	s29 =	rddreg [dreg:$0xa];
	s25 =	smulhi.u32 $0x4924925, s1;
	s0 =	simm.s32 @p1 $0x0  }
0x10: {  	s13 =	rddreg [dreg:$0x3];
	s0 =	smul.u32 s0, s3  }
0x11: {  	s4 =	sshrl.u32 s8, $0x3;
	s14 =	rddreg [dreg:$0x4];
	s2 =	smul.u32 $0x38, s25  }
0x12: {  	s31 =	sand.u32 $0x7, s8;
	s16 =	rddreg [dreg:$0x5];
	s0 =	smul.u32 s26, s0  }
0x13: {  	s4 =	sand.u32 $0xF, s4;
	s3 =	sadd.s32 s5, s27;
	s5 =	smul.u32 $0x2040, s29  }
0x14: {  	s1 =	ssub.s32 s1, s2;
	s2 =	sadd.s32 s28, s3;
	s0 =	smul.u32 $0x38, s0  }
0x15: {  	s17 =	rddreg [dreg:$0x6];
	s1 =	sshll.u32 s1, $0x4;
	s2 =	sadd.s32 s4, s2  }
0x16: {  	s30 =	sor.u32 $0x4000, s5;
	s1 =	sadd.s32 s1, s2;
	s0 =	sand.u32 $0x3FFFFFF8, s0  }
0x17: {  	[hbm4b:s1+s31] =	stream.linear.scatter [tilespmem:s30], [sflag:$0x2], s0, $0x20;
	[tilespmem:$0x8080] =	vst v63  }
.LBB1_14:
0x18: {  	p1 =	slt.u32 s7, $0x2  }
0x19: {  	p2 =	sgt.s32 @!p1 s15, $0x1F  }
0x1a: {  	s0 =	smov.u32 s15;
	s1 =	sshra.s32 @!p1 s15, $0x1F;
	p2 =	por !p2, p1  }
0x1b: {  	s1 =	sand.u32 @!p1 s1, s15;
	s0 =	simm.s32 @p2 $0x1F  }
0x1c: {  	s0 =	ssub.s32 @!p1 s0, s1  }
0x1d: {  	p3 =	sgt.s32 @!p1 s17, $0x37;
	s2 =	sshra.s32 @!p1 s17, $0x1F;
	s1 =	sadd.s32 @!p1 $0xFFFFFFE1, s0  }
0x1e: {  	p3 =	por !p3, p1;
	p2 =	sgt.s32 @!p1 s1, $0x0;
	s1 =	smov.u32 s17  }
0x1f: {  	s3 =	ssub.s32 @!p1 $0x0, s16;
	s2 =	sand.u32 @!p1 s2, s17;
	s1 =	simm.s32 @p3 $0x37  }
0x20: {  	s0 =	ssub.s32 @!p1 $0x20, s0;
	s1 =	ssub.s32 @!p1 s1, s2;
	s2 =	smin.u32 @!p1 s16, s3  }
0x21: {  	s0 =	smul.u32 @!p1 $0x38, s0;
	p2 =	por !p2, p1;
	p3 =	sgt.s32 @!p1 s2, $0x7F  }
0x22: {  	s3 =	sadd.s32 @!p1 $0xFFFFFFC9, s1;
	s2 =	ssub.s32 @!p1 $0x80, s2;
	p3 =	por !p3, p1  }
0x23: {  	s0 =	simm.s32 @!p2 $0x0;
	s2 =	simm.s32 @!p3 $0x0;
	p3 =	sgt.s32 @!p1 s3, $0x0  }
0x24: {  	s1 =	ssub.s32 @!p1 $0x38, s1;
	p2 =	por !p3, p1;
	s0 =	smul.u32 @!p1 s2, s0  }
0x25: {  	s1 =	simm.s32 @!p2 $0x0  }
0x26: {  	s0 =	smul.u32 @!p1 s1, s0;
	s1 =	sadd.s32 $0x1, s10  }
0x27: {  	s3 =	smov.u32 s11;
	s2 =	sadd.s32 $0x80, s11;
	p2 =	sgt.s32 s1, $0x37  }
0x28: {  	s3 =	smov.u32 @p2 s2  }
0x29: {  	s5 =	smov.u32 s12;
	s2 =	sadd.s32 $0x20, s12;
	p3 =	sgt.s32 s3, $0x5F  }
0x2a: {  	s7 =	sadd.s32 $0x1, s7;
	p0 =	por !p0, !p0;
	s5 =	smov.u32 @p3 s2  }
0x2b: {  	s4 =	simm.s32 @!p1 $0x2;
	s1 =	simm.s32 @p2 $0x0;
	p2 =	sgt.s32 s5, $0x1F  }
0x2c: {  	s15 =	smov.u32 s9;
	s5 =	smov.u32 @p2 s14;
	p2 =	sne.s32 s7, $0x3A  }
.Ltmp1:
0x2d: {  	s9 =	smov.u32 s12;
	s17 =	smov.u32 s6;
	(pc) =	sbr.rel @!p2 .LBB1_15-.Ltmp1, $4  }
0x2e: {  	s6 =	smov.u32 s10;
	s16 =	smov.u32 s8;
	s0 =	sand.u32 @!p1 $0x3FFFFFF8, s0  }
0x2f: {  	s8 =	smov.u32 s11;
	_ =	swait.ge @!p1 [sflag:s4], s0;
	s0 =	ssub.s32 @!p1 $0x0, s0  }
0x30: {  	s10 =	smov.u32 s1;
	[sflag:s4] =	ssyncset.done @!p1 $0x0;
	s3 =	simm.s32 @p3 $0x0  }
0x31: {  	[sflag:s4] =	ssyncadd.s32 @!p1 s0;
	s11 =	smov.u32 s3;
	s12 =	smov.u32 s5  }
.LBB1_1:
0x32: {  	p1 =	sgt.u32 s7, $0x37  }
0x33: {  	s1 =	smov.u32 s12;
	s4 =	smov.u32 s11;
	p2 =	sgt.s32 @!p1 s12, $0x1F  }
0x34: {  	s0 =	sand.u32 @!p1 $0x1FFFFFF, s10;
	s3 =	sshra.s32 @!p1 s12, $0x1F;
	p2 =	por !p2, p1  }
0x35: {  	s5 =	sshra.s32 @!p1 s11, $0x1F;
	s1 =	simm.s32 @p2 $0x1F;
	p2 =	sgt.s32 @!p1 s11, $0xFFFFFFE0  }
0x36: {  	s2 =	smulhi.u32 @!p1 $0x4924925, s0;
	s3 =	sand.u32 @!p1 s3, s12;
	p2 =	por !p2, p1  }
0x37: {  	s5 =	sand.u32 @!p1 s5, s11;
	s1 =	ssub.s32 @!p1 s1, s3;
	s4 =	simm.s32 @p2 $0xFFFFFFE0  }
0x38: {  	p2 =	sgt.s32 @!p1 s10, $0x37;
	s1 =	sadd.s32 @!p1 $0xFFFFFFE1, s1;
	s3 =	ssub.s32 @!p1 s4, s5  }
0x39: {  	p2 =	por !p2, p1;
	s5 =	smov.u32 s10;
	s4 =	sadd.s32 @!p1 $0x20, s3  }
0x3a: {  	s5 =	simm.s32 @p2 $0x37;
	p3 =	sgt.s32 @!p1 s4, $0x7F;
	s4 =	sshra.s32 @!p1 s10, $0x1F  }
0x3b: {  	p2 =	sgt.s32 @!p1 s1, $0x0;
	s1 =	sshll.u32 @!p1 s1, $0x6;
	s4 =	sand.u32 @!p1 s4, s10  }
0x3c: {  	s3 =	ssub.s32 @!p1 $0x60, s3;
	s1 =	ssub.s32 @!p1 $0x40, s1;
	s4 =	ssub.s32 @!p1 s5, s4  }
0x3d: {  	p2 =	por !p2, p1;
	p3 =	por !p3, p1;
	s5 =	sadd.s32 @!p1 $0xFFFFFFC9, s4  }
0x3e: {  	s1 =	simm.s32 @!p2 $0x0;
	s3 =	simm.s32 @!p3 $0x0;
	p3 =	sgt.s32 @!p1 s5, $0x0  }
0x3f: {  	s4 =	ssub.s32 @!p1 $0x38, s4;
	s1 =	smul.u32 @!p1 s3, s1;
	p2 =	por !p3, p1  }
0x40: {  	s2 =	smul.u32 @!p1 $0x38, s2;
	s4 =	simm.s32 @!p2 $0x0  }
0x41: {  	s1 =	smul.u32 @!p1 s4, s1  }
0x42: {  	s4 =	smul.u32 @!p1 $0x15000, s12  }
0x43: {  	s0 =	ssub.s32 @!p1 s0, s2;
	s3 =	sxor.u32 @!p1 $0xFFFFFFFF, s7;
	s5 =	smul.u32 @!p1 $0x380, s11  }
0x44: {  	s0 =	sshll.u32 @!p1 s0, $0x4;
	s3 =	sshll.u32 @!p1 s3, $0xD;
	s2 =	sadd.s32 @!p1 s13, s4  }
0x45: {  	s3 =	sand.u32 @!p1 $0x2000, s3;
	s1 =	sand.u32 @!p1 $0x3FFFFFC0, s1;
	s2 =	sadd.s32 @!p1 s5, s2  }
0x46: {  	s4 =	simm.s32 @!p1 $0x1C00;
	s0 =	sadd.s32 @!p1 s0, s2;
	s2 =	simm.s32 @!p1 $0x40  }
0x47: {  	[tilespmem:s3], [sflag:$0x1] =	stream.strided.gather @!p1 [hbm4b:s0+s2], s1, s4, s2, $0x38;
	[tilespmem:$0x8080] =	vst v63  }
0x48: {  	p1 =	seq.s32 s7, $0x0  }
0x49: {  	p2 =	seq.s32 @!p1 s7, $0x39  }
0x4a: {  	p1 =	por p1, p2  }
.Ltmp2:
0x4b: {  	_ = 	snop;
	(pc) =	sbr.rel @p1 .LBB1_14-.Ltmp2, $1  }
0x4c: {  	_ =	sdelay $0x3  }
0x4d: {  	p1 =	sgt.s32 s9, $0x1F  }
0x4e: {  	s0 =	smov.u32 s9;
	s1 =	sshra.s32 s9, $0x1F;
	s25 =	ssub.s32 $0x0, s8  }
0x4f: {  	s2 =	sshra.s32 s8, $0x1F;
	p2 =	sgt.s32 s6, $0x37;
	s3 =	smov.u32 s6  }
0x50: {  	s4 =	sshra.s32 s6, $0x1F;
	p3 =	sgt.s32 s8, $0xFFFFFFE0;
	s5 =	smov.u32 s8  }
0x51: {  	s0 =	simm.s32 @!p1 $0x1F;
	s1 =	sand.u32 s1, s9;
	s3 =	simm.s32 @!p2 $0x37  }
0x52: {  	s4 =	sand.u32 s4, s6;
	s2 =	sand.u32 s25, s2;
	s5 =	simm.s32 @!p3 $0xFFFFFFE0  }
0x53: {  	s0 =	ssub.s32 s0, s1;
	s26 =	ssub.s32 s3, s4;
	[dreg:$0x8] =	wrdreg s2  }
0x54: {  	s27 =	sadd.s32 s2, s5;
	s2 =	sadd.s32 $0x1, s9;
	s1 =	sadd.s32 $0xFFFFFFE1, s0  }
0x55: {  	s4 =	ssub.s32 $0x20, s0;
	s28 =	sadd.s32 $0xFFFFFFC9, s26;
	s29 =	sadd.s32 $0x20, s27  }
0x56: {  	p1 =	sgt.s32 s1, $0x0;
	p2 =	sgt.s32 s28, $0x0;
	s1 =	ssub.s32 $0x38, s26  }
0x57: {  	s0 =	ssub.s32 $0x60, s27;
	s4 =	simm.s32 @p1 $0x0;
	s1 =	simm.s32 @p2 $0x0  }
0x58: {  	p1 =	sgt.s32 s29, $0x7F;
	[dreg:$0x9] =	wrdreg s1;
	s1 =	smul.u32 s4, s1  }
0x59: {  	s3 =	sadd.s32 $0x80, s8;
	s0 =	simm.s32 @p1 $0x0;
	p1 =	slt.s32 s2, $0x20  }
0x5a: {  	s2 =	simm.s32 @!p1 $0x20;
	p1 =	slt.s32 s3, $0x60;
	s0 =	smul.u32 s0, s1  }
0x5b: {  	s20 =	ssub.s32 s2, s9;
	s3 =	simm.s32 @!p1 $0x60;
	s1 =	sadd.s32 $0x1, s6  }
0x5c: {  	s21 =	ssub.s32 s3, s8;
	p2 =	slt.s32 s1, $0x38;
	p1 =	slt.s32 s20, $0x1  }
0x5d: {  	s1 =	simm.s32 @!p2 $0x38;
	p2 =	slt.s32 @!p1 s21, $0x1  }
0x5e: {  	s22 =	ssub.s32 s1, s6;
	p2 =	por p1, p2  }
0x5f: {  	p3 =	slt.s32 @!p2 s22, $0x1  }
0x60: {  	[dreg:$0x6] =	wrdreg s17;
	p2 =	por p2, p3  }
.Ltmp3:
0x61: {  	[dreg:$0x5] =	wrdreg s16;
	s0 =	sshll.u32 s0, $0x6;
	(pc) =	sbr.rel @p2 .LBB1_13-.Ltmp3, $4  }
0x62: {  	s30 =	simm.s32 $0x1;
	[dreg:$0x7] =	wrdreg s4;
	s0 =	sand.u32 $0x3FFFFFC0, s0  }
0x63: {  	_ =	swait.ge [sflag:s30], s0  }
0x64: {  	s31 =	sand.u32 $0x1, s7;
	s0 =	ssub.s32 $0x0, s0;
	[sflag:s30] =	ssyncset.done $0x0  }
0x65: {  	[dreg:$0xa] =	wrdreg s31;
	[sflag:s30] =	ssyncadd.s32 s0  }
0x66: {  	s0 =	simm.s32 $0x1  }
0x67: {  	s0 =	simm.s32 @!p0 $0x0  }
0x68: {  	s0 =	smul.u32 $0x8100, s0  }
.Ltmp4:
0x69: {  	_ = 	snop;
	(pc) =	sbr.rel .LBB1_4-.Ltmp4, $4  }
0x6a: {  	_ = 	snop  }
0x6b: {  	s0 =	sshrl.u32 s0, $0x2  }
0x6c: {  	s23 =	sor.u32 $0x4000, s0;
	s0 =	rddreg [dreg:$0xa]  }
0x6d: {  	s25 =	simm.s32 $0x0;
	s24 =	sshll.u32 @!p1 s0, $0xD  }
.LBB1_12:
0x6e: {  	s25 =	sadd.s32 $0x1, s25  }
0x6f: {  	p1 =	sne.s32 s25, s20  }
.Ltmp5:
0x70: {  	_ = 	snop;
	(pc) =	sbr.rel @!p1 .LBB1_13-.Ltmp5, $2  }
0x71: {  	_ =	sdelay $0x2  }
0x72: {  	s23 =	sadd.s32 $0x2040, s23  }
.LBB1_4:
0x73: {  	s0 =	sshll.u32 s25, $0xF;
	s27 =	simm.s32 $0x800  }
0x74: {  	s28 =	simm.s32 $0x1800;
	s29 =	simm.s32 $0x0;
	s0 =	sshra.s32 s0, $0x2  }
0x75: {  	s30 =	simm.s32 $0x0;
	s31 =	simm.s32 $0x0;
	s26 =	sadd.s32 s0, s24  }
.LBB1_5:
0x76: {  	s0 =	sshrl.u32 s29, $0xA;
	s1 =	sshll.u32 s31, $0x8  }
0x77: {  	s2 =	sshrl.u32 s27, $0xA;
	s3 =	sshrl.u32 s28, $0xA;
	s1 =	sshra.s32 s1, $0x2  }
0x78: {  	s4 =	sshrl.u32 s31, $0x4;
	s0 =	sand.u32 $0x7, s0;
	s1 =	sadd.s32 s1, s26  }
0x79: {  	s14 =	sand.u32 $0x7F, s30;
	s2 =	sand.u32 $0x7, s2;
	s0 =	smul.u32 $0x1020, s0;
	v0 =	vmov s1  }
0x7a: {  	s5 =	sand.u32 $0x7, s3;
	s13 =	sand.u32 $0x38, s4;
	s2 =	smul.u32 $0x1020, s2  }
0x7b: {  	s16 =	simm.s32 $0x0;
	s5 =	smul.u32 $0x1020, s5;
	s17 =	sxor.u32 $0x20, s13  }
0x7c: {  	p2 =	sne.s32 s22, $0x1;
	p1 =	por $0x0, $0x0;
	s3 =	smul.u32 $0x204, s17  }
.Ltmp6:
0x7d: {  	s4 =	sshll.u32 s14, $0x2;
	s16 =	sand.u32 $0x1C0, s16;
	(pc) =	sbr.rel @!p2 .LBB1_6-.Ltmp6, $4  }
0x7e: {  	s0 =	sshrl.u32 s0, $0x2;
	s18 =	sshrl.u32 s2, $0x2;
	s19 =	sshrl.u32 s5, $0x2;
	v7 =	vld.idx.msk [tilespmem:v0+s16+$0x30 ss:$0x1], $0xffff  }
0x7f: {  	s2 =	sshrl.u32 s4, $0x2;
	s4 =	sadd.s32 $0xFFFFFFFF, s22;
	s1 =	sadd.s32 s0, s23;
	v8 =	vld.idx.msk [tilespmem:v0+s16+$0x0 ss:$0x1], $0xffff  }
0x80: {  	s3 =	sshrl.u32 s3, $0x2;
	s5 =	sadd.s32 s18, s23;
	s0 =	sadd.s32 s19, s23;
	v6 =	vld.idx.msk [tilespmem:v0+s16+$0x10 ss:$0x1], $0xffff  }
0x81: {  	s19 =	sadd.s32 s3, s23;
	s3 =	sadd.s32 s2, s0;
	v5 =	vld.idx.msk [tilespmem:v0+s16+$0x20 ss:$0x1], $0xffff;
	s16 =	simm.s32 $0x40  }
0x82: {  	_ =	sdelay $0x1  }
0x83: {  	p2 =	sne.s32 s4, $0x1  }
.Ltmp7:
0x84: {  	s18 =	sand.u32 $0x1C0, s16;
	(pc) =	sbr.rel @!p2 .LBB1_8-.Ltmp7, $4  }
0x85: {  	s17 =	sadd.s32 s2, s1;
	s13 =	sadd.s32 s2, s5;
	v1 =	vld.idx.msk [tilespmem:v0+s18+$0x30 ss:$0x1], $0xffff;
	[tilespmem:s3+$0x0 ss:$0x81] =	vst.msk $0xffff, v7  }
0x86: {  	s16 =	sadd.s32 $0xFFFFFFFF, s4;
	s14 =	sadd.s32 s2, s19;
	s1 =	sadd.s32 $0x2040, s1;
	v2 =	vld.idx.msk [tilespmem:v0+s18+$0x0 ss:$0x1], $0xffff;
	[tilespmem:s17+$0x0 ss:$0x81] =	vst.msk $0xffff, v8  }
0x87: {  	p1 =	por $0x1, $0x1;
	s4 =	smov.u32 s5;
	v3 =	vld.idx.msk [tilespmem:v0+s18+$0x10 ss:$0x1], $0xffff;
	s17 =	sadd.s32 $0x2040, s0;
	[tilespmem:s13+$0x0 ss:$0x81] =	vst.msk $0xffff, v6  }
0x88: {  	v4 =	vld.idx.msk [tilespmem:v0+s18+$0x20 ss:$0x1], $0xffff;
	s18 =	simm.s32 $0x80;
	s0 =	smov.u32 s19;
	s3 =	sadd.s32 s2, s17;
	[tilespmem:s14+$0x0 ss:$0x81] =	vst.msk $0xffff, v5  }
.LBB1_9:
0x89: {  	s13 =	sand.u32 $0x1C0, s18;
	p2 =	sne.s32 s16, $0x1;
	s16 =	sadd.s32 $0xFFFFFFFF, s16  }
.Ltmp8:
0x8a: {  	s14 =	sadd.s32 s2, s1;
	s4 =	sadd.s32 $0x2040, s4;
	[tilespmem:s3+$0x0 ss:$0x81] =	vst.msk $0xffff, v1;
	v1 =	vld.idx.msk [tilespmem:v0+s13+$0x30 ss:$0x1], $0xffff;
	(pc) =	sbr.rel @p2 .LBB1_9-.Ltmp8, $4  }
0x8b: {  	s0 =	sadd.s32 $0x2040, s0;
	s3 =	sadd.s32 s2, s4;
	[tilespmem:s14+$0x0 ss:$0x81] =	vst.msk $0xffff, v2;
	v2 =	vld.idx.msk [tilespmem:v0+s13+$0x0 ss:$0x1], $0xffff  }
0x8c: {  	[tilespmem:s3+$0x0 ss:$0x81] =	vst.msk $0xffff, v3;
	v3 =	vld.idx.msk [tilespmem:v0+s13+$0x10 ss:$0x1], $0xffff;
	s3 =	sadd.s32 s2, s0  }
0x8d: {  	s17 =	sadd.s32 $0x2040, s17;
	[tilespmem:s3+$0x0 ss:$0x81] =	vst.msk $0xffff, v4;
	v4 =	vld.idx.msk [tilespmem:v0+s13+$0x20 ss:$0x1], $0xffff  }
0x8e: {  	s18 =	sadd.s32 $0x40, s18;
	s1 =	sadd.s32 $0x2040, s1;
	s3 =	sadd.s32 s2, s17  }
0x8f: {  	_ =	sdelay $0x2  }
0x90: {  	v7 =	vmovc v1;
	v8 =	vmov v2;
	v6 =	vmov v3;
	v5 =	vmov v4  }
.LBB1_11:
0x91: {  	s4 =	sadd.s32 @p1 $0x2040, s4;
	s0 =	sadd.s32 @p1 $0x2040, s0;
	s31 =	sadd.s32 $0x1, s31  }
0x92: {  	s5 =	smov.u32 @p1 s4;
	s19 =	smov.u32 @p1 s0;
	p1 =	sne.s32 s31, s21  }
.Ltmp9:
0x93: {  	_ = 	snop;
	(pc) =	sbr.rel @p1 .LBB1_5-.Ltmp9, $4  }
.Ltmp10:
0x94: {  	s1 =	sadd.s32 s2, s1;
	[tilespmem:s3+$0x0 ss:$0x81] =	vst.msk $0xffff, v7;
	(pc) =	sbr.rel @!p1 .LBB1_12-.Ltmp10, $4  }
0x95: {  	[tilespmem:s1+$0x0 ss:$0x81] =	vst.msk $0xffff, v8;
	s18 =	sadd.s32 s2, s5  }
0x96: {  	s30 =	sadd.s32 $0x1, s30;
	s0 =	sadd.s32 s2, s19;
	[tilespmem:s18+$0x0 ss:$0x81] =	vst.msk $0xffff, v6  }
0x97: {  	s29 =	sadd.s32 $0x8, s29;
	s27 =	sadd.s32 $0x8, s27;
	s28 =	sadd.s32 $0x8, s28;
	[tilespmem:s0+$0x0 ss:$0x81] =	vst.msk $0xffff, v5  }
0x98: {  	_ = 	snop  }
.LBB1_6:
.Ltmp11:
0x99: {  	(pc) =	sbr.rel .LBB1_11-.Ltmp11, $2  }
0x9a: {  	_ =	sdelay $0x2  }
0x9b: {  	s4 =	smov.u32 s5;
	s0 =	smov.u32 s19  }
.LBB1_8:
.Ltmp12:
0x9c: {  	_ = 	snop;
	(pc) =	sbr.rel .LBB1_11-.Ltmp12, $2  }
0x9d: {  	_ =	sdelay $0x2  }
0x9e: {  	s4 =	smov.u32 s5;
	s0 =	smov.u32 s19;
	v7 =	vmovc v1;
	v8 =	vmov v2;
	v6 =	vmov v3;
	v5 =	vmov v4  }
.LBB1_15:
0x9f: {  	_ =	sfence.sel $0x180000  }
0xa0: {  	s0 =	simm.s32 $0x1;
	[bflag:$0x0] =	sbarrier.arrive $0xFFFF  }
0xa1: {  	s30 =	simm.s32 $0x2;
	[sflag:s0] =	ssyncpa.u1 $0x1  }
0xa2: {  	[sflag:s30] =	ssyncpa.u1 $0x1  }
0xa3: {  	_ =	strace $0x9000004A  }
0xa4: {  	s31 =	stileid.u32;
	[bflag:$0x2] =	sbarrier.arrive $0xFFFF  }
0xa5: {  	p0 =	sne.s32 s31, $0x0;
	s0 =	rddreg [dreg:$0x2]  }
0xa6: {  	s0 =	sadd.s32 @!p0 $0x100000, s0  }
0xa7: {  	[sflag:s0] =	ssyncadd.tile.s32 @!p0 $0x1;
	_ =	shalt  }
.Lfunc_end1:
_tile_overlayer_lowered:
.L_overlay_start_2:
0xa8: {  	(tag) =	ssettag $0x2  }
0xa9: {  	s0 =	rddreg [dreg:$0x0];
	s2 =	stileid.u32  }
0xaa: {  	s1 =	rddreg [dreg:$0x1];
	p0 =	sne.s32 s2, $0x0  }
0xab: {  	s3 =	rddreg [dreg:$0x2];
	[bflag:$0x3] =	sbarrier.arrive $0xFFFF;
	s2 =	simm.s32 @!p0 $0x1C01  }
0xac: {  	[timem:s3], [sflag:s2] =	dma.local @!p0 [hbm:s0], s1  }
0xad: {  	s0 =	simm.s32 @!p0 $0x1  }
0xae: {  	_ =	swait.ge @!p0 [sflag:s0], s1  }
0xaf: {  	s1 =	ssub.s32 @!p0 $0x0, s1;
	[sflag:s0] =	ssyncset.done @!p0 $0x0  }
0xb0: {  	[sflag:s0] =	ssyncadd.s32 @!p0 s1  }
0xb1: {  	[bflag:$0x3] =	sbarrier.arrive $0xFFFF  }
0xb2: {  	_ =	shalt  }

// kernel: sparse-core-data-format-call.cloned.1.call-start
scs
called_computation_lowered:
.L_overlay_start_0:
0x0: {  	s2 =	sld [smem:$0x3FD9]  }
0x1: {  	s3 =	sld [smem:$0x3FFE];
	_ =	sdelay $0x1  }
0x2: {  	s1 =	srdreg.scid  }
0x3: {  	s0 =	sand.u32 $0x1, s1  }
0x4: {  	s16 =	sshll.u32 s0, $0xA;
	s2 =	sadd.s32 s3, s2  }
0x5: {  	s2 =	sadd.s32 s2, s16  }
0x6: {  	[smem:$0x3FC7] =	sst s2  }
0x7: {  	_ = 	snop  }
0x8: {  	s2 =	sld [smem:$0x3FD0];
	_ =	sdelay $0x2  }
0x9: {  	s17 =	simm.s32 $0xB;
	s4 =	simm.s32 $0x10  }
0xa: {  	[smem:s4], [sflag:s17] =	dma.local [hbm:s2], $0x1  }
0xb: {  	_ =	swait.eq [sflag:s17], $0x1  }
0xc: {  	[sflag:s17] =	ssyncset.done $0x0  }
0xd: {  	[sflag:s17] =	ssyncadd.s32 $0xFFFFFFFF  }
0xe: {  	s18 =	sld [smem:$0x11];
	(tm) =	ssettm $0x1  }
0xf: {  	s19 =	sld [smem:$0x3FFB];
	_ =	sdelay $0x3  }
0x10: {  	_ =	strace s19  }
0x11: {  	s2 =	sld [smem:$0x3FFC];
	_ =	sdelay $0x3  }
0x12: {  	_ =	strace s2  }
0x13: {  	s2 =	sld [smem:$0x3FFD];
	_ =	sdelay $0x3  }
0x14: {  	_ =	strace s2  }
0x15: {  	_ =	strace $0x8FFFFFFF  }
0x16: {  	s20 =	sld [smem:$0x3FDB];
	_ =	sdelay $0x1  }
0x17: {  	s21 =	simm.s32 $_scs_section_size  }
0x18: {  	s5 =	simm.s32 $_size__tile_overlayer_lowered;
	s6 =	simm.s32 $_tile_overlayer_lowered  }
0x19: {  	s7 =	simm.s32 $0x1BFF;
	s22 =	sshll.u32 s6, $0x1;
	s4 =	sadd.s32 s21, s20  }
0x1a: {  	s23 =	simm.s32 $0x0;
	s5 =	sshll.u32 s5, $0x1;
	s6 =	sadd.s32 s22, s4  }
0x1b: {  	[timem:s23], [sflag:s7] =	dma.local [hbm:s6], s5  }
0x1c: {  	_ =	swait.ge [sflag:s7], s5  }
0x1d: {  	s5 =	ssub.s32 $0x0, s5;
	[sflag:s7] =	ssyncset.done $0x0  }
0x1e: {  	[sflag:s7] =	ssyncadd.s32 s5;
	_ =	sdelay $0x1  }
0x1f: {  	s24 =	simm.s32 $0x1B8B  }
0x20: {  	_ =	swait.ge [sflag:s24], $0x1  }
0x21: {  	[sflag:s24] =	ssyncset.done $0x0  }
0x22: {  	[sflag:s24] =	ssyncadd.s32 $0xFFFFFFFF  }
0x23: {  	s5 =	sld [smem:$0x0]  }
0x24: {  	s6 =	sand.u32 $0xFFFFFFFE, s1  }
0x25: {  	p0 =	sne.s32 s1, s6  }
0x26: {  	s6 =	sshll.u32 @p0 s6, $0xE  }
0x27: {  	s6 =	sadd.s32 @p0 $0x11B8D, s6;
	s7 =	sshll.u32 @p0 s5, $0x11  }
0x28: {  	s6 =	sor.u32 @p0 s7, s6  }
0x29: {  	[sflag:s6] =	ssyncadd.remote.s32 @p0 $0x1;
	_ =	sdelay $0x1  }
0x2a: {  	s6 =	simm.s32 @p0 $0x1B8D  }
0x2b: {  	_ =	swait.eq @p0 [sflag:s6], $0x1  }
0x2c: {  	[sflag:s6] =	ssyncadd.s32 @p0 $0xFFFFFFFF  }
0x2d: {  	s7 =	sshll.u32 @!p0 s1, $0xE  }
0x2e: {  	s7 =	sor.u32 @!p0 $0x4000, s7;
	s6 =	simm.s32 @!p0 $0x1B8D  }
0x2f: {  	s5 =	sshll.u32 @!p0 s5, $0x11;
	s7 =	sadd.s32 @!p0 $0x11B8D, s7;
	_ =	swait.eq @!p0 [sflag:s6], $0x1  }
0x30: {  	s5 =	sor.u32 @!p0 s5, s7;
	[sflag:s6] =	ssyncadd.s32 @!p0 $0xFFFFFFFF  }
0x31: {  	s26 =	simm.s32 $0x1B8E;
	s25 =	sld [smem:$0x3FFE];
	[sflag:s5] =	ssyncadd.remote.s32 @!p0 $0x1  }
0x32: {  	s27 =	simm.s32 $execute0_lowered;
	[smem:$0x3FD2] =	sst s26  }
0x33: {  	s6 =	sshll.u32 s27, $0x1;
	_ =	strace $0x8000004C;
	[dreg:$0x1] =	wrdreg $0xFFFFFFFF  }
0x34: {  	s28 =	simm.s32 $_size_execute0_lowered;
	s4 =	sadd.s32 s4, s6;
	[dreg:$0x0] =	wrdreg $0x0  }
0x35: {  	s6 =	sshll.u32 s28, $0x1;
	[dreg:$0x2] =	wrdreg s4  }
0x36: {  	[dreg:$0x3] =	wrdreg s6  }
0x37: {  	[dreg:$0x4] =	wrdreg $0xC0  }
0x38: {  	_ =	task [dreg:s23], $0x5FFFF  }
0x39: {  	[dreg:$0x1] =	wrdreg $0xFFFFFFFF  }
0x3a: {  	[dreg:$0x0] =	wrdreg $0x60  }
0x3b: {  	[dreg:$0x2] =	wrdreg s25  }
0x3c: {  	[dreg:$0x3] =	wrdreg s18  }
0x3d: {  	[dreg:$0x4] =	wrdreg $0x9  }
0x3e: {  	_ =	task.clear_ibuf [dreg:s23], $0x5FFFF;
	_ =	strace $0x9000004C  }
0x3f: {  	s29 =	simm.s32 $0x9;
	_ =	strace $0x8000004E  }
0x40: {  	_ =	swait.ge [sflag:s29], $0x1  }
0x41: {  	[sflag:s29] =	ssyncadd.s32 $0xFFFFFFFF  }
0x42: {  	_ =	strace $0x9000004E  }
0x43: {  	_ =	sfence  }
0x44: {  	s30 =	sld [smem:$0x0];
	_ =	sdelay $0x2  }
0x45: {  	s31 =	sshll.u32 s1, $0xD;
	s1 =	sshrl.u32 s1, $0x2  }
0x46: {  	s4 =	sand.u32 $0x4000, s31;
	s1 =	sadd.s32 s1, s30  }
0x47: {  	s0 =	sor.u32 s4, s0;
	s1 =	sshll.u32 s1, $0x11  }
0x48: {  	s0 =	sor.u32 s1, s0  }
0x49: {  	s0 =	sadd.s32 $0x8F2B, s0  }
0x4a: {  	[sflag:s0] =	ssyncadd.remote.s32 $0x1  }
0x4b: {  	_ =	sfence.sel $0xFFFF  }
0x4c: {  	[dreg:$0x0] =	wrdreg $0xFFFFFFFF;
	(pc) =	sbr.abs _section_cstart, $3  }
0x4d: {  	[dreg:$0x1] =	wrdreg $0xFFFFFFFF  }
0x4e: {  	_ =	task.clear_ibuf [dreg:s23], $0x2FFFF;
	_ =	strace $0x9FFFFFFF  }
0x4f: {  	(tm) =	ssettm $0x7FFFFFFF  }
tec
execute0_lowered:
.L_overlay_start_1:
0x0: {  	(tag) =	ssettag $0x1  }
0x1: {  	s0 =	rddreg [dreg:$0x0];
	_ =	strace $0x8000004D  }
0x2: {  	s30 =	srdreg.scid;
	s2 =	stileid.u32;
	s1 =	simm.s32 $0x1  }
0x3: {  	s31 =	simm.s32 $0x2;
	s17 =	simm.s32 $0x0;
	p0 =	por $0x0, $0x0  }
0x4: {  	s16 =	simm.s32 $0x0;
	s15 =	simm.s32 $0x0;
	s6 =	simm.s32 $0x0  }
.Ltmp0:
0x5: {  	s8 =	simm.s32 $0x0;
	s9 =	simm.s32 $0x0;
	(pc) =	sbr.rel .LBB1_1-.Ltmp0, $4  }
0x6: {  	s10 =	simm.s32 $0x0;
	s13 =	sadd.s32 $0x2A1000, s0;
	s0 =	sshll.u32 s30, $0x4  }
0x7: {  	s11 =	simm.s32 $0x0;
	s7 =	simm.s32 $0x0;
	s0 =	sand.u32 $0x10, s0  }
0x8: {  	[sflag:s1] =	ssyncpa.u1 $0x0;
	[dreg:$0x3] =	wrdreg s13;
	s14 =	sor.u32 s2, s0  }
0x9: {  	[sflag:s31] =	ssyncpa.u1 $0x0;
	s12 =	smov.u32 s14;
	[dreg:$0x4] =	wrdreg s14  }
.LBB1_13:
0xa: {  	p1 =	sgt.s32 s8, $0x0;
	s2 =	rddreg [dreg:$0x8]  }
0xb: {  	s0 =	smov.u32 s8;
	s1 =	sshrl.u32 s8, $0x4;
	s3 =	rddreg [dreg:$0x7]  }
0xc: {  	s26 =	rddreg [dreg:$0x9];
	s27 =	smul.u32 $0xC400, s9;
	s0 =	simm.s32 @!p1 $0x0  }
0xd: {  	s28 =	smul.u32 $0x380, s6;
	s5 =	rddreg [dreg:$0x1];
	s0 =	sadd.s32 s0, s2  }
0xe: {  	s1 =	sand.u32 $0x1FFFFF8, s1;
	p1 =	sgt.s32 s0, $0x7F;
	s0 =	ssub.s32 $0x80, s0  }
0xf: {  	s29 =	rddreg [dreg:$0xa];
	s25 =	smulhi.u32 $0x4924925, s1;
	s0 =	simm.s32 @p1 $0x0  }
0x10: {  	s13 =	rddreg [dreg:$0x3];
	s0 =	smul.u32 s0, s3  }
0x11: {  	s4 =	sshrl.u32 s8, $0x3;
	s14 =	rddreg [dreg:$0x4];
	s2 =	smul.u32 $0x38, s25  }
0x12: {  	s31 =	sand.u32 $0x7, s8;
	s16 =	rddreg [dreg:$0x5];
	s0 =	smul.u32 s26, s0  }
0x13: {  	s4 =	sand.u32 $0xF, s4;
	s3 =	sadd.s32 s5, s27;
	s5 =	smul.u32 $0x2040, s29  }
0x14: {  	s1 =	ssub.s32 s1, s2;
	s2 =	sadd.s32 s28, s3;
	s0 =	smul.u32 $0x38, s0  }
0x15: {  	s17 =	rddreg [dreg:$0x6];
	s1 =	sshll.u32 s1, $0x4;
	s2 =	sadd.s32 s4, s2  }
0x16: {  	s30 =	sor.u32 $0x4000, s5;
	s1 =	sadd.s32 s1, s2;
	s0 =	sand.u32 $0x3FFFFFF8, s0  }
0x17: {  	[hbm4b:s1+s31] =	stream.linear.scatter [tilespmem:s30], [sflag:$0x2], s0, $0x20;
	[tilespmem:$0x8080] =	vst v63  }
.LBB1_14:
0x18: {  	p1 =	slt.u32 s7, $0x2  }
0x19: {  	p2 =	sgt.s32 @!p1 s15, $0x1F  }
0x1a: {  	s0 =	smov.u32 s15;
	s1 =	sshra.s32 @!p1 s15, $0x1F;
	p2 =	por !p2, p1  }
0x1b: {  	s1 =	sand.u32 @!p1 s1, s15;
	s0 =	simm.s32 @p2 $0x1F  }
0x1c: {  	s0 =	ssub.s32 @!p1 s0, s1  }
0x1d: {  	p3 =	sgt.s32 @!p1 s17, $0x37;
	s2 =	sshra.s32 @!p1 s17, $0x1F;
	s1 =	sadd.s32 @!p1 $0xFFFFFFE1, s0  }
0x1e: {  	p3 =	por !p3, p1;
	p2 =	sgt.s32 @!p1 s1, $0x0;
	s1 =	smov.u32 s17  }
0x1f: {  	s3 =	ssub.s32 @!p1 $0x0, s16;
	s2 =	sand.u32 @!p1 s2, s17;
	s1 =	simm.s32 @p3 $0x37  }
0x20: {  	s0 =	ssub.s32 @!p1 $0x20, s0;
	s1 =	ssub.s32 @!p1 s1, s2;
	s2 =	smin.u32 @!p1 s16, s3  }
0x21: {  	s0 =	smul.u32 @!p1 $0x38, s0;
	p2 =	por !p2, p1;
	p3 =	sgt.s32 @!p1 s2, $0x7F  }
0x22: {  	s3 =	sadd.s32 @!p1 $0xFFFFFFC9, s1;
	s2 =	ssub.s32 @!p1 $0x80, s2;
	p3 =	por !p3, p1  }
0x23: {  	s0 =	simm.s32 @!p2 $0x0;
	s2 =	simm.s32 @!p3 $0x0;
	p3 =	sgt.s32 @!p1 s3, $0x0  }
0x24: {  	s1 =	ssub.s32 @!p1 $0x38, s1;
	p2 =	por !p3, p1;
	s0 =	smul.u32 @!p1 s2, s0  }
0x25: {  	s1 =	simm.s32 @!p2 $0x0  }
0x26: {  	s0 =	smul.u32 @!p1 s1, s0;
	s1 =	sadd.s32 $0x1, s10  }
0x27: {  	s3 =	smov.u32 s11;
	s2 =	sadd.s32 $0x80, s11;
	p2 =	sgt.s32 s1, $0x37  }
0x28: {  	s3 =	smov.u32 @p2 s2  }
0x29: {  	s5 =	smov.u32 s12;
	s2 =	sadd.s32 $0x20, s12;
	p3 =	sgt.s32 s3, $0x5F  }
0x2a: {  	s7 =	sadd.s32 $0x1, s7;
	p0 =	por !p0, !p0;
	s5 =	smov.u32 @p3 s2  }
0x2b: {  	s4 =	simm.s32 @!p1 $0x2;
	s1 =	simm.s32 @p2 $0x0;
	p2 =	sgt.s32 s5, $0x1F  }
0x2c: {  	s15 =	smov.u32 s9;
	s5 =	smov.u32 @p2 s14;
	p2 =	sne.s32 s7, $0x3A  }
.Ltmp1:
0x2d: {  	s9 =	smov.u32 s12;
	s17 =	smov.u32 s6;
	(pc) =	sbr.rel @!p2 .LBB1_15-.Ltmp1, $4  }
0x2e: {  	s6 =	smov.u32 s10;
	s16 =	smov.u32 s8;
	s0 =	sand.u32 @!p1 $0x3FFFFFF8, s0  }
0x2f: {  	s8 =	smov.u32 s11;
	_ =	swait.ge @!p1 [sflag:s4], s0;
	s0 =	ssub.s32 @!p1 $0x0, s0  }
0x30: {  	s10 =	smov.u32 s1;
	[sflag:s4] =	ssyncset.done @!p1 $0x0;
	s3 =	simm.s32 @p3 $0x0  }
0x31: {  	[sflag:s4] =	ssyncadd.s32 @!p1 s0;
	s11 =	smov.u32 s3;
	s12 =	smov.u32 s5  }
.LBB1_1:
0x32: {  	p1 =	sgt.u32 s7, $0x37  }
0x33: {  	s1 =	smov.u32 s12;
	s4 =	smov.u32 s11;
	p2 =	sgt.s32 @!p1 s12, $0x1F  }
0x34: {  	s0 =	sand.u32 @!p1 $0x1FFFFFF, s10;
	s3 =	sshra.s32 @!p1 s12, $0x1F;
	p2 =	por !p2, p1  }
0x35: {  	s5 =	sshra.s32 @!p1 s11, $0x1F;
	s1 =	simm.s32 @p2 $0x1F;
	p2 =	sgt.s32 @!p1 s11, $0xFFFFFFE0  }
0x36: {  	s2 =	smulhi.u32 @!p1 $0x4924925, s0;
	s3 =	sand.u32 @!p1 s3, s12;
	p2 =	por !p2, p1  }
0x37: {  	s5 =	sand.u32 @!p1 s5, s11;
	s1 =	ssub.s32 @!p1 s1, s3;
	s4 =	simm.s32 @p2 $0xFFFFFFE0  }
0x38: {  	p2 =	sgt.s32 @!p1 s10, $0x37;
	s1 =	sadd.s32 @!p1 $0xFFFFFFE1, s1;
	s3 =	ssub.s32 @!p1 s4, s5  }
0x39: {  	p2 =	por !p2, p1;
	s5 =	smov.u32 s10;
	s4 =	sadd.s32 @!p1 $0x20, s3  }
0x3a: {  	s5 =	simm.s32 @p2 $0x37;
	p3 =	sgt.s32 @!p1 s4, $0x7F;
	s4 =	sshra.s32 @!p1 s10, $0x1F  }
0x3b: {  	p2 =	sgt.s32 @!p1 s1, $0x0;
	s1 =	sshll.u32 @!p1 s1, $0x6;
	s4 =	sand.u32 @!p1 s4, s10  }
0x3c: {  	s3 =	ssub.s32 @!p1 $0x60, s3;
	s1 =	ssub.s32 @!p1 $0x40, s1;
	s4 =	ssub.s32 @!p1 s5, s4  }
0x3d: {  	p2 =	por !p2, p1;
	p3 =	por !p3, p1;
	s5 =	sadd.s32 @!p1 $0xFFFFFFC9, s4  }
0x3e: {  	s1 =	simm.s32 @!p2 $0x0;
	s3 =	simm.s32 @!p3 $0x0;
	p3 =	sgt.s32 @!p1 s5, $0x0  }
0x3f: {  	s4 =	ssub.s32 @!p1 $0x38, s4;
	s1 =	smul.u32 @!p1 s3, s1;
	p2 =	por !p3, p1  }
0x40: {  	s2 =	smul.u32 @!p1 $0x38, s2;
	s4 =	simm.s32 @!p2 $0x0  }
0x41: {  	s1 =	smul.u32 @!p1 s4, s1  }
0x42: {  	s4 =	smul.u32 @!p1 $0x15000, s12  }
0x43: {  	s0 =	ssub.s32 @!p1 s0, s2;
	s3 =	sxor.u32 @!p1 $0xFFFFFFFF, s7;
	s5 =	smul.u32 @!p1 $0x380, s11  }
0x44: {  	s0 =	sshll.u32 @!p1 s0, $0x4;
	s3 =	sshll.u32 @!p1 s3, $0xD;
	s2 =	sadd.s32 @!p1 s13, s4  }
0x45: {  	s3 =	sand.u32 @!p1 $0x2000, s3;
	s1 =	sand.u32 @!p1 $0x3FFFFFC0, s1;
	s2 =	sadd.s32 @!p1 s5, s2  }
0x46: {  	s4 =	simm.s32 @!p1 $0x1C00;
	s0 =	sadd.s32 @!p1 s0, s2;
	s2 =	simm.s32 @!p1 $0x40  }
0x47: {  	[tilespmem:s3], [sflag:$0x1] =	stream.strided.gather @!p1 [hbm4b:s0+s2], s1, s4, s2, $0x38;
	[tilespmem:$0x8080] =	vst v63  }
0x48: {  	p1 =	seq.s32 s7, $0x0  }
0x49: {  	p2 =	seq.s32 @!p1 s7, $0x39  }
0x4a: {  	p1 =	por p1, p2  }
.Ltmp2:
0x4b: {  	_ = 	snop;
	(pc) =	sbr.rel @p1 .LBB1_14-.Ltmp2, $1  }
0x4c: {  	_ =	sdelay $0x3  }
0x4d: {  	p1 =	sgt.s32 s9, $0x1F  }
0x4e: {  	s0 =	smov.u32 s9;
	s1 =	sshra.s32 s9, $0x1F;
	s25 =	ssub.s32 $0x0, s8  }
0x4f: {  	s2 =	sshra.s32 s8, $0x1F;
	p2 =	sgt.s32 s6, $0x37;
	s3 =	smov.u32 s6  }
0x50: {  	s4 =	sshra.s32 s6, $0x1F;
	p3 =	sgt.s32 s8, $0xFFFFFFE0;
	s5 =	smov.u32 s8  }
0x51: {  	s0 =	simm.s32 @!p1 $0x1F;
	s1 =	sand.u32 s1, s9;
	s3 =	simm.s32 @!p2 $0x37  }
0x52: {  	s4 =	sand.u32 s4, s6;
	s2 =	sand.u32 s25, s2;
	s5 =	simm.s32 @!p3 $0xFFFFFFE0  }
0x53: {  	s0 =	ssub.s32 s0, s1;
	s26 =	ssub.s32 s3, s4;
	[dreg:$0x8] =	wrdreg s2  }
0x54: {  	s27 =	sadd.s32 s2, s5;
	s2 =	sadd.s32 $0x1, s9;
	s1 =	sadd.s32 $0xFFFFFFE1, s0  }
0x55: {  	s4 =	ssub.s32 $0x20, s0;
	s28 =	sadd.s32 $0xFFFFFFC9, s26;
	s29 =	sadd.s32 $0x20, s27  }
0x56: {  	p1 =	sgt.s32 s1, $0x0;
	p2 =	sgt.s32 s28, $0x0;
	s1 =	ssub.s32 $0x38, s26  }
0x57: {  	s0 =	ssub.s32 $0x60, s27;
	s4 =	simm.s32 @p1 $0x0;
	s1 =	simm.s32 @p2 $0x0  }
0x58: {  	p1 =	sgt.s32 s29, $0x7F;
	[dreg:$0x9] =	wrdreg s1;
	s1 =	smul.u32 s4, s1  }
0x59: {  	s3 =	sadd.s32 $0x80, s8;
	s0 =	simm.s32 @p1 $0x0;
	p1 =	slt.s32 s2, $0x20  }
0x5a: {  	s2 =	simm.s32 @!p1 $0x20;
	p1 =	slt.s32 s3, $0x60;
	s0 =	smul.u32 s0, s1  }
0x5b: {  	s20 =	ssub.s32 s2, s9;
	s3 =	simm.s32 @!p1 $0x60;
	s1 =	sadd.s32 $0x1, s6  }
0x5c: {  	s21 =	ssub.s32 s3, s8;
	p2 =	slt.s32 s1, $0x38;
	p1 =	slt.s32 s20, $0x1  }
0x5d: {  	s1 =	simm.s32 @!p2 $0x38;
	p2 =	slt.s32 @!p1 s21, $0x1  }
0x5e: {  	s22 =	ssub.s32 s1, s6;
	p2 =	por p1, p2  }
0x5f: {  	p3 =	slt.s32 @!p2 s22, $0x1  }
0x60: {  	[dreg:$0x6] =	wrdreg s17;
	p2 =	por p2, p3  }
.Ltmp3:
0x61: {  	[dreg:$0x5] =	wrdreg s16;
	s0 =	sshll.u32 s0, $0x6;
	(pc) =	sbr.rel @p2 .LBB1_13-.Ltmp3, $4  }
0x62: {  	s30 =	simm.s32 $0x1;
	[dreg:$0x7] =	wrdreg s4;
	s0 =	sand.u32 $0x3FFFFFC0, s0  }
0x63: {  	_ =	swait.ge [sflag:s30], s0  }
0x64: {  	s31 =	sand.u32 $0x1, s7;
	s0 =	ssub.s32 $0x0, s0;
	[sflag:s30] =	ssyncset.done $0x0  }
0x65: {  	[dreg:$0xa] =	wrdreg s31;
	[sflag:s30] =	ssyncadd.s32 s0  }
0x66: {  	s0 =	simm.s32 $0x1  }
0x67: {  	s0 =	simm.s32 @!p0 $0x0  }
0x68: {  	s0 =	smul.u32 $0x8100, s0  }
.Ltmp4:
0x69: {  	_ = 	snop;
	(pc) =	sbr.rel .LBB1_4-.Ltmp4, $4  }
0x6a: {  	_ = 	snop  }
0x6b: {  	s0 =	sshrl.u32 s0, $0x2  }
0x6c: {  	s23 =	sor.u32 $0x4000, s0;
	s0 =	rddreg [dreg:$0xa]  }
0x6d: {  	s25 =	simm.s32 $0x0;
	s24 =	sshll.u32 @!p1 s0, $0xD  }
.LBB1_12:
0x6e: {  	s25 =	sadd.s32 $0x1, s25  }
0x6f: {  	p1 =	sne.s32 s25, s20  }
.Ltmp5:
0x70: {  	_ = 	snop;
	(pc) =	sbr.rel @!p1 .LBB1_13-.Ltmp5, $2  }
0x71: {  	_ =	sdelay $0x2  }
0x72: {  	s23 =	sadd.s32 $0x2040, s23  }
.LBB1_4:
0x73: {  	s0 =	sshll.u32 s25, $0xF;
	s27 =	simm.s32 $0x800  }
0x74: {  	s28 =	simm.s32 $0x1800;
	s29 =	simm.s32 $0x0;
	s0 =	sshra.s32 s0, $0x2  }
0x75: {  	s30 =	simm.s32 $0x0;
	s31 =	simm.s32 $0x0;
	s26 =	sadd.s32 s0, s24  }
.LBB1_5:
0x76: {  	s0 =	sshrl.u32 s29, $0xA;
	s1 =	sshll.u32 s31, $0x8  }
0x77: {  	s2 =	sshrl.u32 s27, $0xA;
	s3 =	sshrl.u32 s28, $0xA;
	s1 =	sshra.s32 s1, $0x2  }
0x78: {  	s4 =	sshrl.u32 s31, $0x4;
	s0 =	sand.u32 $0x7, s0;
	s1 =	sadd.s32 s1, s26  }
0x79: {  	s14 =	sand.u32 $0x7F, s30;
	s2 =	sand.u32 $0x7, s2;
	s0 =	smul.u32 $0x1020, s0;
	v0 =	vmov s1  }
0x7a: {  	s5 =	sand.u32 $0x7, s3;
	s13 =	sand.u32 $0x38, s4;
	s2 =	smul.u32 $0x1020, s2  }
0x7b: {  	s16 =	simm.s32 $0x0;
	s5 =	smul.u32 $0x1020, s5;
	s17 =	sxor.u32 $0x20, s13  }
0x7c: {  	p2 =	sne.s32 s22, $0x1;
	p1 =	por $0x0, $0x0;
	s3 =	smul.u32 $0x204, s17  }
.Ltmp6:
0x7d: {  	s4 =	sshll.u32 s14, $0x2;
	s16 =	sand.u32 $0x1C0, s16;
	(pc) =	sbr.rel @!p2 .LBB1_6-.Ltmp6, $4  }
0x7e: {  	s0 =	sshrl.u32 s0, $0x2;
	s18 =	sshrl.u32 s2, $0x2;
	s19 =	sshrl.u32 s5, $0x2;
	v7 =	vld.idx.msk [tilespmem:v0+s16+$0x30 ss:$0x1], $0xffff  }
0x7f: {  	s2 =	sshrl.u32 s4, $0x2;
	s4 =	sadd.s32 $0xFFFFFFFF, s22;
	s1 =	sadd.s32 s0, s23;
	v8 =	vld.idx.msk [tilespmem:v0+s16+$0x0 ss:$0x1], $0xffff  }
0x80: {  	s3 =	sshrl.u32 s3, $0x2;
	s5 =	sadd.s32 s18, s23;
	s0 =	sadd.s32 s19, s23;
	v6 =	vld.idx.msk [tilespmem:v0+s16+$0x10 ss:$0x1], $0xffff  }
0x81: {  	s19 =	sadd.s32 s3, s23;
	s3 =	sadd.s32 s2, s0;
	v5 =	vld.idx.msk [tilespmem:v0+s16+$0x20 ss:$0x1], $0xffff;
	s16 =	simm.s32 $0x40  }
0x82: {  	_ =	sdelay $0x1  }
0x83: {  	p2 =	sne.s32 s4, $0x1  }
.Ltmp7:
0x84: {  	s18 =	sand.u32 $0x1C0, s16;
	(pc) =	sbr.rel @!p2 .LBB1_8-.Ltmp7, $4  }
0x85: {  	s17 =	sadd.s32 s2, s1;
	s13 =	sadd.s32 s2, s5;
	v1 =	vld.idx.msk [tilespmem:v0+s18+$0x30 ss:$0x1], $0xffff;
	[tilespmem:s3+$0x0 ss:$0x81] =	vst.msk $0xffff, v7  }
0x86: {  	s16 =	sadd.s32 $0xFFFFFFFF, s4;
	s14 =	sadd.s32 s2, s19;
	s1 =	sadd.s32 $0x2040, s1;
	v2 =	vld.idx.msk [tilespmem:v0+s18+$0x0 ss:$0x1], $0xffff;
	[tilespmem:s17+$0x0 ss:$0x81] =	vst.msk $0xffff, v8  }
0x87: {  	p1 =	por $0x1, $0x1;
	s4 =	smov.u32 s5;
	v3 =	vld.idx.msk [tilespmem:v0+s18+$0x10 ss:$0x1], $0xffff;
	s17 =	sadd.s32 $0x2040, s0;
	[tilespmem:s13+$0x0 ss:$0x81] =	vst.msk $0xffff, v6  }
0x88: {  	v4 =	vld.idx.msk [tilespmem:v0+s18+$0x20 ss:$0x1], $0xffff;
	s18 =	simm.s32 $0x80;
	s0 =	smov.u32 s19;
	s3 =	sadd.s32 s2, s17;
	[tilespmem:s14+$0x0 ss:$0x81] =	vst.msk $0xffff, v5  }
.LBB1_9:
0x89: {  	s13 =	sand.u32 $0x1C0, s18;
	p2 =	sne.s32 s16, $0x1;
	s16 =	sadd.s32 $0xFFFFFFFF, s16  }
.Ltmp8:
0x8a: {  	s14 =	sadd.s32 s2, s1;
	s4 =	sadd.s32 $0x2040, s4;
	[tilespmem:s3+$0x0 ss:$0x81] =	vst.msk $0xffff, v1;
	v1 =	vld.idx.msk [tilespmem:v0+s13+$0x30 ss:$0x1], $0xffff;
	(pc) =	sbr.rel @p2 .LBB1_9-.Ltmp8, $4  }
0x8b: {  	s0 =	sadd.s32 $0x2040, s0;
	s3 =	sadd.s32 s2, s4;
	[tilespmem:s14+$0x0 ss:$0x81] =	vst.msk $0xffff, v2;
	v2 =	vld.idx.msk [tilespmem:v0+s13+$0x0 ss:$0x1], $0xffff  }
0x8c: {  	[tilespmem:s3+$0x0 ss:$0x81] =	vst.msk $0xffff, v3;
	v3 =	vld.idx.msk [tilespmem:v0+s13+$0x10 ss:$0x1], $0xffff;
	s3 =	sadd.s32 s2, s0  }
0x8d: {  	s17 =	sadd.s32 $0x2040, s17;
	[tilespmem:s3+$0x0 ss:$0x81] =	vst.msk $0xffff, v4;
	v4 =	vld.idx.msk [tilespmem:v0+s13+$0x20 ss:$0x1], $0xffff  }
0x8e: {  	s18 =	sadd.s32 $0x40, s18;
	s1 =	sadd.s32 $0x2040, s1;
	s3 =	sadd.s32 s2, s17  }
0x8f: {  	_ =	sdelay $0x2  }
0x90: {  	v7 =	vmovc v1;
	v8 =	vmov v2;
	v6 =	vmov v3;
	v5 =	vmov v4  }
.LBB1_11:
0x91: {  	s4 =	sadd.s32 @p1 $0x2040, s4;
	s0 =	sadd.s32 @p1 $0x2040, s0;
	s31 =	sadd.s32 $0x1, s31  }
0x92: {  	s5 =	smov.u32 @p1 s4;
	s19 =	smov.u32 @p1 s0;
	p1 =	sne.s32 s31, s21  }
.Ltmp9:
0x93: {  	_ = 	snop;
	(pc) =	sbr.rel @p1 .LBB1_5-.Ltmp9, $4  }
.Ltmp10:
0x94: {  	s1 =	sadd.s32 s2, s1;
	[tilespmem:s3+$0x0 ss:$0x81] =	vst.msk $0xffff, v7;
	(pc) =	sbr.rel @!p1 .LBB1_12-.Ltmp10, $4  }
0x95: {  	[tilespmem:s1+$0x0 ss:$0x81] =	vst.msk $0xffff, v8;
	s18 =	sadd.s32 s2, s5  }
0x96: {  	s30 =	sadd.s32 $0x1, s30;
	s0 =	sadd.s32 s2, s19;
	[tilespmem:s18+$0x0 ss:$0x81] =	vst.msk $0xffff, v6  }
0x97: {  	s29 =	sadd.s32 $0x8, s29;
	s27 =	sadd.s32 $0x8, s27;
	s28 =	sadd.s32 $0x8, s28;
	[tilespmem:s0+$0x0 ss:$0x81] =	vst.msk $0xffff, v5  }
0x98: {  	_ = 	snop  }
.LBB1_6:
.Ltmp11:
0x99: {  	(pc) =	sbr.rel .LBB1_11-.Ltmp11, $2  }
0x9a: {  	_ =	sdelay $0x2  }
0x9b: {  	s4 =	smov.u32 s5;
	s0 =	smov.u32 s19  }
.LBB1_8:
.Ltmp12:
0x9c: {  	_ = 	snop;
	(pc) =	sbr.rel .LBB1_11-.Ltmp12, $2  }
0x9d: {  	_ =	sdelay $0x2  }
0x9e: {  	s4 =	smov.u32 s5;
	s0 =	smov.u32 s19;
	v7 =	vmovc v1;
	v8 =	vmov v2;
	v6 =	vmov v3;
	v5 =	vmov v4  }
.LBB1_15:
0x9f: {  	_ =	sfence.sel $0x180000  }
0xa0: {  	s0 =	simm.s32 $0x1;
	[bflag:$0x0] =	sbarrier.arrive $0xFFFF  }
0xa1: {  	s30 =	simm.s32 $0x2;
	[sflag:s0] =	ssyncpa.u1 $0x1  }
0xa2: {  	[sflag:s30] =	ssyncpa.u1 $0x1  }
0xa3: {  	_ =	strace $0x9000004D  }
0xa4: {  	s31 =	stileid.u32;
	[bflag:$0x2] =	sbarrier.arrive $0xFFFF  }
0xa5: {  	p0 =	sne.s32 s31, $0x0;
	s0 =	rddreg [dreg:$0x2]  }
0xa6: {  	s0 =	sadd.s32 @!p0 $0x100000, s0  }
0xa7: {  	[sflag:s0] =	ssyncadd.tile.s32 @!p0 $0x1;
	_ =	shalt  }
.Lfunc_end1:
_tile_overlayer_lowered:
.L_overlay_start_2:
0xa8: {  	(tag) =	ssettag $0x2  }
0xa9: {  	s0 =	rddreg [dreg:$0x0];
	s2 =	stileid.u32  }
0xaa: {  	s1 =	rddreg [dreg:$0x1];
	p0 =	sne.s32 s2, $0x0  }
0xab: {  	s3 =	rddreg [dreg:$0x2];
	[bflag:$0x3] =	sbarrier.arrive $0xFFFF;
	s2 =	simm.s32 @!p0 $0x1C01  }
0xac: {  	[timem:s3], [sflag:s2] =	dma.local @!p0 [hbm:s0], s1  }
0xad: {  	s0 =	simm.s32 @!p0 $0x1  }
0xae: {  	_ =	swait.ge @!p0 [sflag:s0], s1  }
0xaf: {  	s1 =	ssub.s32 @!p0 $0x0, s1;
	[sflag:s0] =	ssyncset.done @!p0 $0x0  }
0xb0: {  	[sflag:s0] =	ssyncadd.s32 @!p0 s1  }
0xb1: {  	[bflag:$0x3] =	sbarrier.arrive $0xFFFF  }
0xb2: {  	_ =	shalt  }

</sc_bundles>
